<compile_context>
chip_gen: v7x
topology: tpu7x:2x2x1
jax: 0.10.2.dev20260603
libtpu: 0.0.44.dev20260713+nightly
codegen_flags: <defaults>
</compile_context>

<pallas_src>
import functools

import jax
import jax.numpy as jnp
import numpy as np
from jax import lax
from jax.experimental import pallas as pl
from jax.experimental.pallas import tpu as pltpu
from jax.experimental.pallas import tpu_sc as plsc

NC = 2
NS = 16
NW = NC * NS
LANES = 128
HI = np.uint32(0x80000000)
ALL1 = np.uint32(0xFFFFFFFF)


def _sc_mesh():
    return plsc.VectorSubcoreMesh(core_axis_name="c", subcore_axis_name="s")


def _make_deg_kernel(n_pad, steps, b, d):
    npt = n_pad // NS

    @functools.partial(
        pl.kernel,
        mesh=_sc_mesh(),
        out_type=jax.ShapeDtypeStruct((NC, n_pad, d), jnp.float32),
        scratch_types=[
            pltpu.VMEM((steps, b), jnp.int32),
            pltpu.VMEM((b, d), jnp.float32),
            pltpu.VMEM_SHARED((n_pad, d), jnp.float32),
        ],
    )
    def deg_kernel(dst_hbm, ones_hbm, zrow_hbm, out_hbm, dst_v, ones_v, deg_sh):
        c = lax.axis_index("c")
        s = lax.axis_index("s")
        w = c * NS + s
        pltpu.sync_copy(zrow_hbm, deg_sh.at[pl.ds(s * npt, npt)])
        pltpu.sync_copy(dst_hbm.at[w], dst_v)
        pltpu.sync_copy(ones_hbm, ones_v)
        plsc.subcore_barrier()

        def body(j, carry):
            pltpu.sync_copy(ones_v, deg_sh.at[dst_v.at[j]], add=True)
            return carry

        lax.fori_loop(0, steps, body, 0)
        plsc.subcore_barrier()
        pltpu.sync_copy(deg_sh.at[pl.ds(s * npt, npt)],
                        out_hbm.at[c, pl.ds(s * npt, npt)])

    return deg_kernel


def _make_scatter_kernel(n_pad, steps, b, d):
    npt = n_pad // NS

    @functools.partial(
        pl.kernel,
        mesh=_sc_mesh(),
        out_type=jax.ShapeDtypeStruct((NC, n_pad, d), jnp.float32),
        scratch_types=[
            pltpu.VMEM((steps, b), jnp.int32),
            pltpu.VMEM((steps, b), jnp.int32),
            pltpu.VMEM((b, d), jnp.float32),
            pltpu.VMEM_SHARED((n_pad, d), jnp.float32),
            pltpu.SemaphoreType.DMA,
        ],
    )
    def scat_kernel(g_hbm, src_hbm, dst_hbm, zrow_hbm, out_hbm,
                    src_v, dst_v, rows_v, acc_sh, gsem):
        c = lax.axis_index("c")
        s = lax.axis_index("s")
        w = c * NS + s
        pltpu.sync_copy(zrow_hbm, acc_sh.at[pl.ds(s * npt, npt)])
        pltpu.sync_copy(src_hbm.at[w], src_v)
        pltpu.sync_copy(dst_hbm.at[w], dst_v)
        plsc.subcore_barrier()

        def body(j, carry):
            pltpu.async_copy(g_hbm.at[src_v.at[j]], rows_v, gsem).wait()
            pltpu.sync_copy(rows_v, acc_sh.at[dst_v.at[j]], add=True)
            return carry

        lax.fori_loop(0, steps, body, 0)
        plsc.subcore_barrier()
        pltpu.sync_copy(acc_sh.at[pl.ds(s * npt, npt)],
                        out_hbm.at[c, pl.ds(s * npt, npt)])

    return scat_kernel


def _gcn_scale_body(x_ref, w_ref, da_ref, db_ref, g_ref, dinv_ref):
    deg = da_ref[:, :1] + db_ref[:, :1] + 1.0
    dinv = lax.rsqrt(deg)
    h = jnp.dot(x_ref[...], w_ref[...], preferred_element_type=jnp.float32)
    g_ref[...] = h * dinv
    dinv_ref[...] = dinv


def _make_final_body(n, n_pad, blk, kth):
    nb = n_pad // blk

    def body(acca_ref, accb_ref, g_ref, dinv_ref, bgcn_ref,
             w1_ref, b1_ref, w2_ref, b2_ref, w3_ref, b3_ref,
             out_ref, keys_scr):
        i = pl.program_id(0)
        conv = dinv_ref[...] * (acca_ref[...] + accb_ref[...] + g_ref[...]) \
            + bgcn_ref[...]
        ui = lax.bitcast_convert_type(conv, jnp.uint32)
        key = jnp.where(ui >= HI, ~ui, ui | HI)
        rowid = lax.broadcasted_iota(jnp.int32, conv.shape, 0) + i * blk
        key = jnp.where(rowid >= n, ALL1, key)
        keys_scr[pl.ds(i * blk, blk), :] = key

        @pl.when(i == nb - 1)
        def _():
            def sel_body(t, carry):
                prefix, kk = carry
                shift = (30 - 2 * t).astype(jnp.uint32)
                himask = ~((jnp.uint32(4) << shift) - jnp.uint32(1))

                def cnt_body(ci, acc):
                    c0, c1, c2 = acc
                    kc = keys_scr[pl.ds(ci * blk, blk), :]
                    cand = (kc & himask) == prefix
                    dig = (kc >> shift) & jnp.uint32(3)
                    z = jnp.float32(0.0)
                    c0 = c0 + jnp.sum(
                        jnp.where(cand & (dig == 0), 1.0, z),
                        axis=0, keepdims=True)
                    c1 = c1 + jnp.sum(
                        jnp.where(cand & (dig == 1), 1.0, z),
                        axis=0, keepdims=True)
                    c2 = c2 + jnp.sum(
                        jnp.where(cand & (dig == 2), 1.0, z),
                        axis=0, keepdims=True)
                    return c0, c1, c2

                zc = jnp.zeros((1, LANES), jnp.float32)
                c0, c1, c2 = lax.fori_loop(0, nb, cnt_body, (zc, zc, zc))
                ge1 = kk >= c0
                ge2 = kk >= c0 + c1
                ge3 = kk >= c0 + c1 + c2
                digit = (ge1.astype(jnp.uint32) + ge2.astype(jnp.uint32)
                         + ge3.astype(jnp.uint32))
                kk = (kk - jnp.where(ge1, c0, 0.0)
                      - jnp.where(ge2, c1, 0.0)
                      - jnp.where(ge3, c2, 0.0))
                prefix = prefix | (digit << shift)
                return prefix, kk

            prefix0 = jnp.zeros((1, LANES), jnp.uint32)
            kk0 = jnp.full((1, LANES), float(kth), jnp.float32)
            prefix, _ = lax.fori_loop(0, 16, sel_body, (prefix0, kk0))
            ub = jnp.where(prefix >= HI, prefix ^ HI, ~prefix)
            med = lax.bitcast_convert_type(ub, jnp.float32)
            h1 = jnp.tanh(jnp.dot(med, w1_ref[...],
                                  preferred_element_type=jnp.float32)
                          + b1_ref[...])
            h2 = jnp.tanh(jnp.dot(h1, w2_ref[...],
                                  preferred_element_type=jnp.float32)
                          + b2_ref[...])
            out_ref[...] = jnp.dot(h2, w3_ref[...],
                                   preferred_element_type=jnp.float32) \
                + b3_ref[...]

    return body


def kernel(x, edge_index, W_gcn, b_gcn, W1, b1, W2, b2, W3, b3):
    n, d = x.shape
    e = edge_index.shape[1]
    hidden = W1.shape[1]
    action = W3.shape[1]

    blk = 1024
    n_pad = ((n + blk - 1) // blk) * blk
    b = 64
    ept = (e + NW - 1) // NW
    steps = ((ept + 2 * b - 1) // (2 * b)) * 2
    epw = steps * b
    bd = 128
    steps_d = (ept + bd - 1) // bd
    epw_d = steps_d * bd

    src = edge_index[0].reshape(NW, e // NW)
    dst = edge_index[1].reshape(NW, e // NW)
    padw = epw - e // NW
    src_p = jnp.pad(src, ((0, 0), (0, padw))).reshape(NW, steps, b)
    dst_p = jnp.pad(dst, ((0, 0), (0, padw)),
                    constant_values=n).reshape(NW, steps, b)

    dst_pd = jnp.pad(dst, ((0, 0), (0, epw_d - e // NW)),
                     constant_values=n).reshape(NW, steps_d, bd)
    ones_rows = jnp.ones((bd, d), jnp.float32)
    zrow = jnp.zeros((n_pad // NS, d), jnp.float32)
    x_p = jnp.pad(x, ((0, n_pad - n), (0, 0)))

    deg_parts = _make_deg_kernel(n_pad, steps_d, bd, d)(dst_pd, ones_rows, zrow)

    g, dinv = pl.pallas_call(
        _gcn_scale_body,
        grid=(n_pad // blk,),
        in_specs=[
            pl.BlockSpec((blk, d), lambda i: (i, 0)),
            pl.BlockSpec((d, d), lambda i: (0, 0)),
            pl.BlockSpec((blk, d), lambda i: (i, 0)),
            pl.BlockSpec((blk, d), lambda i: (i, 0)),
        ],
        out_specs=[
            pl.BlockSpec((blk, d), lambda i: (i, 0)),
            pl.BlockSpec((blk, 1), lambda i: (i, 0)),
        ],
        out_shape=[
            jax.ShapeDtypeStruct((n_pad, d), jnp.float32),
            jax.ShapeDtypeStruct((n_pad, 1), jnp.float32),
        ],
    )(x_p, W_gcn, deg_parts[0], deg_parts[1])

    acc_parts = _make_scatter_kernel(n_pad, steps, b, d)(
        g, src_p, dst_p, zrow)

    kth = (n - 1) // 2
    out = pl.pallas_call(
        _make_final_body(n, n_pad, blk, kth),
        grid=(n_pad // blk,),
        in_specs=[
            pl.BlockSpec((blk, d), lambda i: (i, 0)),
            pl.BlockSpec((blk, d), lambda i: (i, 0)),
            pl.BlockSpec((blk, d), lambda i: (i, 0)),
            pl.BlockSpec((blk, 1), lambda i: (i, 0)),
            pl.BlockSpec((1, d), lambda i: (0, 0)),
            pl.BlockSpec((d, hidden), lambda i: (0, 0)),
            pl.BlockSpec((1, hidden), lambda i: (0, 0)),
            pl.BlockSpec((hidden, hidden), lambda i: (0, 0)),
            pl.BlockSpec((1, hidden), lambda i: (0, 0)),
            pl.BlockSpec((hidden, action), lambda i: (0, 0)),
            pl.BlockSpec((1, action), lambda i: (0, 0)),
        ],
        out_specs=pl.BlockSpec((1, action), lambda i: (0, 0)),
        out_shape=jax.ShapeDtypeStruct((1, action), jnp.float32),
        scratch_shapes=[pltpu.VMEM((n_pad, d), jnp.uint32)],
    )(acc_parts[0], acc_parts[1], g, dinv, b_gcn.reshape(1, d),
      W1, b1.reshape(1, hidden), W2, b2.reshape(1, hidden),
      W3, b3.reshape(1, action))

    return out

# --- scband reference (transcript-rebuilt; emitter-appended) ---
"""Pipeline reference for scband-graph-actor-64768106824368 (READ-ONLY COPY).

The authoritative reference and input builder live on the scoring server;
editing this copy changes nothing except your own understanding.
"""

import jax, jax.numpy as jnp
import numpy as np

N_NODES = 10000
N_EDGES = 320000
D_FEAT = 128
HIDDEN = 64
ACTION = 7


def setup_inputs(seed: int = 0) -> dict:
    key = jax.random.key(seed)
    ks = jax.random.split(key, 10)
    x = jax.random.normal(ks[0], (N_NODES, D_FEAT), dtype=jnp.float32)
    edge_index = jax.random.randint(ks[1], (2, N_EDGES), 0, N_NODES, dtype=jnp.int32)
    # GCNConv(in=D_FEAT, out=D_FEAT) weights
    W_gcn = jax.random.normal(ks[2], (D_FEAT, D_FEAT), dtype=jnp.float32) * (1.0 / np.sqrt(D_FEAT))
    b_gcn = jnp.zeros((D_FEAT,), dtype=jnp.float32)
    # orthogonal-init MLP approximated with scaled gaussians (math identical at runtime)
    W1 = jax.random.normal(ks[3], (D_FEAT, HIDDEN), dtype=jnp.float32) * (np.sqrt(2.0) / np.sqrt(D_FEAT))
    b1 = jnp.zeros((HIDDEN,), dtype=jnp.float32)
    W2 = jax.random.normal(ks[4], (HIDDEN, HIDDEN), dtype=jnp.float32) * (np.sqrt(2.0) / np.sqrt(HIDDEN))
    b2 = jnp.zeros((HIDDEN,), dtype=jnp.float32)
    W3 = jax.random.normal(ks[5], (HIDDEN, ACTION), dtype=jnp.float32) * (np.sqrt(2.0) / np.sqrt(HIDDEN))
    b3 = jnp.zeros((ACTION,), dtype=jnp.float32)
    return {"x": x, "edge_index": edge_index, "W_gcn": W_gcn, "b_gcn": b_gcn,
            "W1": W1, "b1": b1, "W2": W2, "b2": b2, "W3": W3, "b3": b3}


def reference(x, edge_index, W_gcn, b_gcn, W1, b1, W2, b2, W3, b3):
    N = x.shape[0]
    src = edge_index[0]
    dst = edge_index[1]
    # GCNConv: add self-loops, symmetric normalization
    loop = jnp.arange(N, dtype=src.dtype)
    src = jnp.concatenate([src, loop])
    dst = jnp.concatenate([dst, loop])
    deg = jax.ops.segment_sum(jnp.ones(src.shape[0], dtype=x.dtype), dst, num_segments=N)
    dinv = jnp.where(deg > 0, jax.lax.rsqrt(jnp.maximum(deg, 1e-12)), 0.0)
    norm = dinv[src] * dinv[dst]
    h = x @ W_gcn
    msgs = h[src] * norm[:, None]
    conv_out = jax.ops.segment_sum(msgs, dst, num_segments=N) + b_gcn
    # MedianAggregation over all nodes (index=None -> one set), 'lower' interpolation
    s = jnp.sort(conv_out, axis=0)
    med = s[(N - 1) // 2][None, :]
    h1 = jnp.tanh(med @ W1 + b1)
    h2 = jnp.tanh(h1 @ W2 + b2)
    out = h2 @ W3 + b3
    return out

if __name__ == "__main__":
    import jax
    _d = setup_inputs()
    print(jax.jit(kernel)(*tuple(_d.values())))

</pallas_src>

<mosaic_0001>
#map = affine_map<(d0, d1) -> (0, 0, 0)>
#map1 = affine_map<(d0, d1) -> (0, 0)>
module attributes {stable_mosaic.version = 14 : i64} {
  func.func @deg_kernel(%arg0: i32, %arg1: i32, %arg2: memref<32x79x128xi32, #tpu.memory_space<hbm>>, %arg3: memref<128x128xf32, #tpu.memory_space<hbm>>, %arg4: memref<640x128xf32, #tpu.memory_space<hbm>>, %arg5: memref<2x10240x128xf32, #tpu.memory_space<hbm>>, %arg6: memref<79x128xi32, #tpu.memory_space<vmem>>, %arg7: memref<128x128xf32, #tpu.memory_space<vmem>>, %arg8: memref<10240x128xf32, #tpu.memory_space<vmem_shared>>) attributes {dimension_semantics = [#tpu.dimension_semantics<core_parallel>, #tpu.dimension_semantics<subcore_parallel>], iteration_bounds = array<i64: 2, 16>, scalar_prefetch = 0 : i64, scratch_operands = 3 : i64, tpu.core_type = #tpu.core_type<sc_vector_subcore>, window_params = [{transform_indices = #map}, {transform_indices = #map1}, {transform_indices = #map1}, {transform_indices = #map}]} {
    %mul3A = arith.constant 16 : i32
    %mul3A_0 = arith.muli %arg0, %mul3A : i32
    %add3A = arith.addi %mul3A_0, %arg1 : i32
    %mul3A_1 = arith.constant 640 : i32
    %mul3A_2 = arith.muli %arg1, %mul3A_1 : i32
    "tpu.region"() ({
      %run_scoped3A = tpu.sem_alloc : memref<!tpu.dma_semaphore, #tpu.memory_space<semaphore_mem>>
      %dma_start3A = arith.constant 0 : i32
      %dma_start3A_13 = tpu.memref_slice %arg8[%mul3A_2, %dma_start3A] : memref<10240x128xf32, #tpu.memory_space<vmem_shared>> -> memref<640x128xf32, #tpu.memory_space<vmem_shared>>
      tpu.enqueue_dma source(%arg4 : memref<640x128xf32, #tpu.memory_space<hbm>>) target(%dma_start3A_13 : memref<640x128xf32, #tpu.memory_space<vmem_shared>>) target_semaphore(%run_scoped3A : memref<!tpu.dma_semaphore, #tpu.memory_space<semaphore_mem>>)
      %dma_wait3A = arith.constant 0 : i32
      %dma_wait3A_14 = tpu.memref_slice %arg8[%mul3A_2, %dma_wait3A] : memref<10240x128xf32, #tpu.memory_space<vmem_shared>> -> memref<640x128xf32, #tpu.memory_space<vmem_shared>>
      tpu.wait_dma2 semaphore(%run_scoped3A : memref<!tpu.dma_semaphore, #tpu.memory_space<semaphore_mem>>) src(%arg4 : memref<640x128xf32, #tpu.memory_space<hbm>>) dst(%dma_wait3A_14 : memref<640x128xf32, #tpu.memory_space<vmem_shared>>)
      tpu.yield
    }) : () -> ()
    "tpu.region"() ({
      %run_scoped3A = tpu.sem_alloc : memref<!tpu.dma_semaphore, #tpu.memory_space<semaphore_mem>>
      %dma_start3A = arith.constant 0 : i32
      %dma_start3A_13 = arith.constant 0 : i32
      %dma_start3A_14 = tpu.memref_slice %arg2[%add3A, %dma_start3A, %dma_start3A_13] : memref<32x79x128xi32, #tpu.memory_space<hbm>> -> memref<1x79x128xi32, #tpu.memory_space<hbm>>
      %dma_start3A_15 = tpu.memref_squeeze %dma_start3A_14 : memref<1x79x128xi32, #tpu.memory_space<hbm>> -> memref<79x128xi32, #tpu.memory_space<hbm>>
      %dma_start3A_16 = arith.constant 0 : i32
      %dma_start3A_17 = arith.constant 0 : i32
      %dma_start3A_18 = tpu.memref_slice %arg2[%add3A, %dma_start3A_16, %dma_start3A_17] : memref<32x79x128xi32, #tpu.memory_space<hbm>> -> memref<1x79x128xi32, #tpu.memory_space<hbm>>
      %dma_start3A_19 = tpu.memref_squeeze %dma_start3A_18 : memref<1x79x128xi32, #tpu.memory_space<hbm>> -> memref<79x128xi32, #tpu.memory_space<hbm>>
      tpu.enqueue_dma source(%dma_start3A_19 : memref<79x128xi32, #tpu.memory_space<hbm>>) target(%arg6 : memref<79x128xi32, #tpu.memory_space<vmem>>) target_semaphore(%run_scoped3A : memref<!tpu.dma_semaphore, #tpu.memory_space<semaphore_mem>>)
      %dma_wait3A = arith.constant 0 : i32
      %dma_wait3A_20 = arith.constant 0 : i32
      %dma_wait3A_21 = tpu.memref_slice %arg2[%add3A, %dma_wait3A, %dma_wait3A_20] : memref<32x79x128xi32, #tpu.memory_space<hbm>> -> memref<1x79x128xi32, #tpu.memory_space<hbm>>
      %dma_wait3A_22 = tpu.memref_squeeze %dma_wait3A_21 : memref<1x79x128xi32, #tpu.memory_space<hbm>> -> memref<79x128xi32, #tpu.memory_space<hbm>>
      %dma_wait3A_23 = arith.constant 0 : i32
      %dma_wait3A_24 = arith.constant 0 : i32
      %dma_wait3A_25 = tpu.memref_slice %arg2[%add3A, %dma_wait3A_23, %dma_wait3A_24] : memref<32x79x128xi32, #tpu.memory_space<hbm>> -> memref<1x79x128xi32, #tpu.memory_space<hbm>>
      %dma_wait3A_26 = tpu.memref_squeeze %dma_wait3A_25 : memref<1x79x128xi32, #tpu.memory_space<hbm>> -> memref<79x128xi32, #tpu.memory_space<hbm>>
      tpu.wait_dma2 semaphore(%run_scoped3A : memref<!tpu.dma_semaphore, #tpu.memory_space<semaphore_mem>>) src(%dma_wait3A_26 : memref<79x128xi32, #tpu.memory_space<hbm>>) dst(%arg6 : memref<79x128xi32, #tpu.memory_space<vmem>>)
      tpu.yield
    }) : () -> ()
    "tpu.region"() ({
      %run_scoped3A = tpu.sem_alloc : memref<!tpu.dma_semaphore, #tpu.memory_space<semaphore_mem>>
      tpu.enqueue_dma source(%arg3 : memref<128x128xf32, #tpu.memory_space<hbm>>) target(%arg7 : memref<128x128xf32, #tpu.memory_space<vmem>>) target_semaphore(%run_scoped3A : memref<!tpu.dma_semaphore, #tpu.memory_space<semaphore_mem>>)
      tpu.wait_dma2 semaphore(%run_scoped3A : memref<!tpu.dma_semaphore, #tpu.memory_space<semaphore_mem>>) src(%arg3 : memref<128x128xf32, #tpu.memory_space<hbm>>) dst(%arg7 : memref<128x128xf32, #tpu.memory_space<vmem>>)
      tpu.yield
    }) : () -> ()
    %barrier3A = arith.constant 0 : index
    tpu.barrier barrier_id(%barrier3A)
    %scan3A = arith.constant 0 : i32
    %scan3A_3 = arith.constant 0 : i32
    %scan3A_4 = arith.constant 79 : i32
    %scan3A_5 = arith.addi %scan3A_3, %scan3A_4 : i32
    %scan3A_6 = arith.constant 1 : i32
    scf.for %scan3A_13 = %scan3A_3 to %scan3A_5 step %scan3A_6  : i32 {
      "tpu.region"() ({
        %run_scoped3A = tpu.sem_alloc : memref<!tpu.dma_semaphore, #tpu.memory_space<semaphore_mem>>
        %dma_start3A = arith.constant 0 : i32
        %dma_start3A_14 = tpu.memref_slice %arg6[%scan3A_13, %dma_start3A] : memref<79x128xi32, #tpu.memory_space<vmem>> -> memref<1x128xi32, #tpu.memory_space<vmem>>
        %dma_start3A_15 = tpu.memref_squeeze %dma_start3A_14 : memref<1x128xi32, #tpu.memory_space<vmem>> -> memref<128xi32, #tpu.memory_space<vmem>>
        %dma_start3A_16 = arith.constant 0 : i32
        %dma_start3A_17 = arith.constant 0 : i32
        %dma_start3A_18 = tpu.memref_slice %arg8[%dma_start3A_16, %dma_start3A_17] : memref<10240x128xf32, #tpu.memory_space<vmem_shared>> -> memref<10240x128xf32, #tpu.memory_space<vmem_shared>>
        tpu.enqueue_indirect_dma source(%arg7 : memref<128x128xf32, #tpu.memory_space<vmem>>) target(%dma_start3A_18 : memref<10240x128xf32, #tpu.memory_space<vmem_shared>>) offsets(%dma_start3A_15 : memref<128xi32, #tpu.memory_space<vmem>>) semaphore(%run_scoped3A : memref<!tpu.dma_semaphore, #tpu.memory_space<semaphore_mem>>) {add = true}
        %dma_wait3A = arith.constant 0 : i32
        %dma_wait3A_19 = tpu.memref_slice %arg6[%scan3A_13, %dma_wait3A] : memref<79x128xi32, #tpu.memory_space<vmem>> -> memref<1x128xi32, #tpu.memory_space<vmem>>
        %dma_wait3A_20 = tpu.memref_squeeze %dma_wait3A_19 : memref<1x128xi32, #tpu.memory_space<vmem>> -> memref<128xi32, #tpu.memory_space<vmem>>
        %dma_wait3A_21 = arith.constant 0 : i32
        %dma_wait3A_22 = arith.constant 0 : i32
        %dma_wait3A_23 = tpu.memref_slice %arg8[%dma_wait3A_21, %dma_wait3A_22] : memref<10240x128xf32, #tpu.memory_space<vmem_shared>> -> memref<10240x128xf32, #tpu.memory_space<vmem_shared>>
        tpu.wait_indirect_dma semaphore(%run_scoped3A : memref<!tpu.dma_semaphore, #tpu.memory_space<semaphore_mem>>) src(%arg7 : memref<128x128xf32, #tpu.memory_space<vmem>>) dst(%dma_wait3A_23 : memref<10240x128xf32, #tpu.memory_space<vmem_shared>>)
        tpu.yield
      }) : () -> ()
    }
    %scan3A_7 = arith.constant 79 : i32
    %barrier3A_8 = arith.constant 0 : index
    tpu.barrier barrier_id(%barrier3A_8)
    %mul3A_9 = arith.constant 640 : i32
    %mul3A_10 = arith.muli %arg1, %mul3A_9 : i32
    %mul3A_11 = arith.constant 640 : i32
    %mul3A_12 = arith.muli %arg1, %mul3A_11 : i32
    "tpu.region"() ({
      %run_scoped3A = tpu.sem_alloc : memref<!tpu.dma_semaphore, #tpu.memory_space<semaphore_mem>>
      %dma_start3A = arith.constant 0 : i32
      %dma_start3A_13 = tpu.memref_slice %arg5[%arg0, %mul3A_12, %dma_start3A] : memref<2x10240x128xf32, #tpu.memory_space<hbm>> -> memref<1x640x128xf32, #tpu.memory_space<hbm>>
      %dma_start3A_14 = tpu.memref_squeeze %dma_start3A_13 : memref<1x640x128xf32, #tpu.memory_space<hbm>> -> memref<640x128xf32, #tpu.memory_space<hbm>>
      %dma_start3A_15 = arith.constant 0 : i32
      %dma_start3A_16 = tpu.memref_slice %arg8[%mul3A_10, %dma_start3A_15] : memref<10240x128xf32, #tpu.memory_space<vmem_shared>> -> memref<640x128xf32, #tpu.memory_space<vmem_shared>>
      tpu.enqueue_dma source(%dma_start3A_16 : memref<640x128xf32, #tpu.memory_space<vmem_shared>>) target(%dma_start3A_14 : memref<640x128xf32, #tpu.memory_space<hbm>>) target_semaphore(%run_scoped3A : memref<!tpu.dma_semaphore, #tpu.memory_space<semaphore_mem>>)
      %dma_wait3A = arith.constant 0 : i32
      %dma_wait3A_17 = tpu.memref_slice %arg5[%arg0, %mul3A_12, %dma_wait3A] : memref<2x10240x128xf32, #tpu.memory_space<hbm>> -> memref<1x640x128xf32, #tpu.memory_space<hbm>>
      %dma_wait3A_18 = tpu.memref_squeeze %dma_wait3A_17 : memref<1x640x128xf32, #tpu.memory_space<hbm>> -> memref<640x128xf32, #tpu.memory_space<hbm>>
      %dma_wait3A_19 = arith.constant 0 : i32
      %dma_wait3A_20 = tpu.memref_slice %arg8[%mul3A_10, %dma_wait3A_19] : memref<10240x128xf32, #tpu.memory_space<vmem_shared>> -> memref<640x128xf32, #tpu.memory_space<vmem_shared>>
      tpu.wait_dma2 semaphore(%run_scoped3A : memref<!tpu.dma_semaphore, #tpu.memory_space<semaphore_mem>>) src(%dma_wait3A_20 : memref<640x128xf32, #tpu.memory_space<vmem_shared>>) dst(%dma_wait3A_18 : memref<640x128xf32, #tpu.memory_space<hbm>>)
      tpu.yield
    }) : () -> ()
    return
  }
}

#map = affine_map<(d0, d1) -> (0, 0)>
#map1 = affine_map<(d0, d1) -> (0, 0, 0)>
module attributes {stable_mosaic.version = 14 : i64} {
  func.func @scat_kernel(%arg0: i32, %arg1: i32, %arg2: memref<10240x128xf32, #tpu.memory_space<hbm>>, %arg3: memref<32x158x64xi32, #tpu.memory_space<hbm>>, %arg4: memref<32x158x64xi32, #tpu.memory_space<hbm>>, %arg5: memref<640x128xf32, #tpu.memory_space<hbm>>, %arg6: memref<2x10240x128xf32, #tpu.memory_space<hbm>>, %arg7: memref<158x64xi32, #tpu.memory_space<vmem>>, %arg8: memref<158x64xi32, #tpu.memory_space<vmem>>, %arg9: memref<64x128xf32, #tpu.memory_space<vmem>>, %arg10: memref<10240x128xf32, #tpu.memory_space<vmem_shared>>, %arg11: memref<!tpu.dma_semaphore, #tpu.memory_space<semaphore_mem>>) attributes {dimension_semantics = [#tpu.dimension_semantics<core_parallel>, #tpu.dimension_semantics<subcore_parallel>], iteration_bounds = array<i64: 2, 16>, scalar_prefetch = 0 : i64, scratch_operands = 5 : i64, tpu.core_type = #tpu.core_type<sc_vector_subcore>, window_params = [{transform_indices = #map}, {transform_indices = #map1}, {transform_indices = #map1}, {transform_indices = #map}, {transform_indices = #map1}]} {
    %mul3A = arith.constant 16 : i32
    %mul3A_0 = arith.muli %arg0, %mul3A : i32
    %add3A = arith.addi %mul3A_0, %arg1 : i32
    %mul3A_1 = arith.constant 640 : i32
    %mul3A_2 = arith.muli %arg1, %mul3A_1 : i32
    "tpu.region"() ({
      %run_scoped3A = tpu.sem_alloc : memref<!tpu.dma_semaphore, #tpu.memory_space<semaphore_mem>>
      %dma_start3A = arith.constant 0 : i32
      %dma_start3A_13 = tpu.memref_slice %arg10[%mul3A_2, %dma_start3A] : memref<10240x128xf32, #tpu.memory_space<vmem_shared>> -> memref<640x128xf32, #tpu.memory_space<vmem_shared>>
      tpu.enqueue_dma source(%arg5 : memref<640x128xf32, #tpu.memory_space<hbm>>) target(%dma_start3A_13 : memref<640x128xf32, #tpu.memory_space<vmem_shared>>) target_semaphore(%run_scoped3A : memref<!tpu.dma_semaphore, #tpu.memory_space<semaphore_mem>>)
      %dma_wait3A = arith.constant 0 : i32
      %dma_wait3A_14 = tpu.memref_slice %arg10[%mul3A_2, %dma_wait3A] : memref<10240x128xf32, #tpu.memory_space<vmem_shared>> -> memref<640x128xf32, #tpu.memory_space<vmem_shared>>
      tpu.wait_dma2 semaphore(%run_scoped3A : memref<!tpu.dma_semaphore, #tpu.memory_space<semaphore_mem>>) src(%arg5 : memref<640x128xf32, #tpu.memory_space<hbm>>) dst(%dma_wait3A_14 : memref<640x128xf32, #tpu.memory_space<vmem_shared>>)
      tpu.yield
    }) : () -> ()
    "tpu.region"() ({
      %run_scoped3A = tpu.sem_alloc : memref<!tpu.dma_semaphore, #tpu.memory_space<semaphore_mem>>
      %dma_start3A = arith.constant 0 : i32
      %dma_start3A_13 = arith.constant 0 : i32
      %dma_start3A_14 = tpu.memref_slice %arg3[%add3A, %dma_start3A, %dma_start3A_13] : memref<32x158x64xi32, #tpu.memory_space<hbm>> -> memref<1x158x64xi32, #tpu.memory_space<hbm>>
      %dma_start3A_15 = tpu.memref_squeeze %dma_start3A_14 : memref<1x158x64xi32, #tpu.memory_space<hbm>> -> memref<158x64xi32, #tpu.memory_space<hbm>>
      %dma_start3A_16 = arith.constant 0 : i32
      %dma_start3A_17 = arith.constant 0 : i32
      %dma_start3A_18 = tpu.memref_slice %arg3[%add3A, %dma_start3A_16, %dma_start3A_17] : memref<32x158x64xi32, #tpu.memory_space<hbm>> -> memref<1x158x64xi32, #tpu.memory_space<hbm>>
      %dma_start3A_19 = tpu.memref_squeeze %dma_start3A_18 : memref<1x158x64xi32, #tpu.memory_space<hbm>> -> memref<158x64xi32, #tpu.memory_space<hbm>>
      tpu.enqueue_dma source(%dma_start3A_19 : memref<158x64xi32, #tpu.memory_space<hbm>>) target(%arg7 : memref<158x64xi32, #tpu.memory_space<vmem>>) target_semaphore(%run_scoped3A : memref<!tpu.dma_semaphore, #tpu.memory_space<semaphore_mem>>)
      %dma_wait3A = arith.constant 0 : i32
      %dma_wait3A_20 = arith.constant 0 : i32
      %dma_wait3A_21 = tpu.memref_slice %arg3[%add3A, %dma_wait3A, %dma_wait3A_20] : memref<32x158x64xi32, #tpu.memory_space<hbm>> -> memref<1x158x64xi32, #tpu.memory_space<hbm>>
      %dma_wait3A_22 = tpu.memref_squeeze %dma_wait3A_21 : memref<1x158x64xi32, #tpu.memory_space<hbm>> -> memref<158x64xi32, #tpu.memory_space<hbm>>
      %dma_wait3A_23 = arith.constant 0 : i32
      %dma_wait3A_24 = arith.constant 0 : i32
      %dma_wait3A_25 = tpu.memref_slice %arg3[%add3A, %dma_wait3A_23, %dma_wait3A_24] : memref<32x158x64xi32, #tpu.memory_space<hbm>> -> memref<1x158x64xi32, #tpu.memory_space<hbm>>
      %dma_wait3A_26 = tpu.memref_squeeze %dma_wait3A_25 : memref<1x158x64xi32, #tpu.memory_space<hbm>> -> memref<158x64xi32, #tpu.memory_space<hbm>>
      tpu.wait_dma2 semaphore(%run_scoped3A : memref<!tpu.dma_semaphore, #tpu.memory_space<semaphore_mem>>) src(%dma_wait3A_26 : memref<158x64xi32, #tpu.memory_space<hbm>>) dst(%arg7 : memref<158x64xi32, #tpu.memory_space<vmem>>)
      tpu.yield
    }) : () -> ()
    "tpu.region"() ({
      %run_scoped3A = tpu.sem_alloc : memref<!tpu.dma_semaphore, #tpu.memory_space<semaphore_mem>>
      %dma_start3A = arith.constant 0 : i32
      %dma_start3A_13 = arith.constant 0 : i32
      %dma_start3A_14 = tpu.memref_slice %arg4[%add3A, %dma_start3A, %dma_start3A_13] : memref<32x158x64xi32, #tpu.memory_space<hbm>> -> memref<1x158x64xi32, #tpu.memory_space<hbm>>
      %dma_start3A_15 = tpu.memref_squeeze %dma_start3A_14 : memref<1x158x64xi32, #tpu.memory_space<hbm>> -> memref<158x64xi32, #tpu.memory_space<hbm>>
      %dma_start3A_16 = arith.constant 0 : i32
      %dma_start3A_17 = arith.constant 0 : i32
      %dma_start3A_18 = tpu.memref_slice %arg4[%add3A, %dma_start3A_16, %dma_start3A_17] : memref<32x158x64xi32, #tpu.memory_space<hbm>> -> memref<1x158x64xi32, #tpu.memory_space<hbm>>
      %dma_start3A_19 = tpu.memref_squeeze %dma_start3A_18 : memref<1x158x64xi32, #tpu.memory_space<hbm>> -> memref<158x64xi32, #tpu.memory_space<hbm>>
      tpu.enqueue_dma source(%dma_start3A_19 : memref<158x64xi32, #tpu.memory_space<hbm>>) target(%arg8 : memref<158x64xi32, #tpu.memory_space<vmem>>) target_semaphore(%run_scoped3A : memref<!tpu.dma_semaphore, #tpu.memory_space<semaphore_mem>>)
      %dma_wait3A = arith.constant 0 : i32
      %dma_wait3A_20 = arith.constant 0 : i32
      %dma_wait3A_21 = tpu.memref_slice %arg4[%add3A, %dma_wait3A, %dma_wait3A_20] : memref<32x158x64xi32, #tpu.memory_space<hbm>> -> memref<1x158x64xi32, #tpu.memory_space<hbm>>
      %dma_wait3A_22 = tpu.memref_squeeze %dma_wait3A_21 : memref<1x158x64xi32, #tpu.memory_space<hbm>> -> memref<158x64xi32, #tpu.memory_space<hbm>>
      %dma_wait3A_23 = arith.constant 0 : i32
      %dma_wait3A_24 = arith.constant 0 : i32
      %dma_wait3A_25 = tpu.memref_slice %arg4[%add3A, %dma_wait3A_23, %dma_wait3A_24] : memref<32x158x64xi32, #tpu.memory_space<hbm>> -> memref<1x158x64xi32, #tpu.memory_space<hbm>>
      %dma_wait3A_26 = tpu.memref_squeeze %dma_wait3A_25 : memref<1x158x64xi32, #tpu.memory_space<hbm>> -> memref<158x64xi32, #tpu.memory_space<hbm>>
      tpu.wait_dma2 semaphore(%run_scoped3A : memref<!tpu.dma_semaphore, #tpu.memory_space<semaphore_mem>>) src(%dma_wait3A_26 : memref<158x64xi32, #tpu.memory_space<hbm>>) dst(%arg8 : memref<158x64xi32, #tpu.memory_space<vmem>>)
      tpu.yield
    }) : () -> ()
    %barrier3A = arith.constant 0 : index
    tpu.barrier barrier_id(%barrier3A)
    %scan3A = arith.constant 0 : i32
    %scan3A_3 = arith.constant 0 : i32
    %scan3A_4 = arith.constant 158 : i32
    %scan3A_5 = arith.addi %scan3A_3, %scan3A_4 : i32
    %scan3A_6 = arith.constant 1 : i32
    scf.for %scan3A_13 = %scan3A_3 to %scan3A_5 step %scan3A_6  : i32 {
      %dma_start3A = arith.constant 0 : i32
      %dma_start3A_14 = tpu.memref_slice %arg7[%scan3A_13, %dma_start3A] : memref<158x64xi32, #tpu.memory_space<vmem>> -> memref<1x64xi32, #tpu.memory_space<vmem>>
      %dma_start3A_15 = tpu.memref_squeeze %dma_start3A_14 : memref<1x64xi32, #tpu.memory_space<vmem>> -> memref<64xi32, #tpu.memory_space<vmem>>
      %dma_start3A_16 = arith.constant 0 : i32
      %dma_start3A_17 = arith.constant 0 : i32
      %dma_start3A_18 = tpu.memref_slice %arg2[%dma_start3A_16, %dma_start3A_17] : memref<10240x128xf32, #tpu.memory_space<hbm>> -> memref<10240x128xf32, #tpu.memory_space<hbm>>
      tpu.enqueue_indirect_dma source(%dma_start3A_18 : memref<10240x128xf32, #tpu.memory_space<hbm>>) target(%arg9 : memref<64x128xf32, #tpu.memory_space<vmem>>) offsets(%dma_start3A_15 : memref<64xi32, #tpu.memory_space<vmem>>) semaphore(%arg11 : memref<!tpu.dma_semaphore, #tpu.memory_space<semaphore_mem>>)
      %dma_wait3A = arith.constant 0 : i32
      %dma_wait3A_19 = tpu.memref_slice %arg7[%scan3A_13, %dma_wait3A] : memref<158x64xi32, #tpu.memory_space<vmem>> -> memref<1x64xi32, #tpu.memory_space<vmem>>
      %dma_wait3A_20 = tpu.memref_squeeze %dma_wait3A_19 : memref<1x64xi32, #tpu.memory_space<vmem>> -> memref<64xi32, #tpu.memory_space<vmem>>
      %dma_wait3A_21 = arith.constant 0 : i32
      %dma_wait3A_22 = arith.constant 0 : i32
      %dma_wait3A_23 = tpu.memref_slice %arg2[%dma_wait3A_21, %dma_wait3A_22] : memref<10240x128xf32, #tpu.memory_space<hbm>> -> memref<10240x128xf32, #tpu.memory_space<hbm>>
      tpu.wait_indirect_dma semaphore(%arg11 : memref<!tpu.dma_semaphore, #tpu.memory_space<semaphore_mem>>) src(%dma_wait3A_23 : memref<10240x128xf32, #tpu.memory_space<hbm>>) dst(%arg9 : memref<64x128xf32, #tpu.memory_space<vmem>>)
      "tpu.region"() ({
        %run_scoped3A = tpu.sem_alloc : memref<!tpu.dma_semaphore, #tpu.memory_space<semaphore_mem>>
        %dma_start3A_24 = arith.constant 0 : i32
        %dma_start3A_25 = tpu.memref_slice %arg8[%scan3A_13, %dma_start3A_24] : memref<158x64xi32, #tpu.memory_space<vmem>> -> memref<1x64xi32, #tpu.memory_space<vmem>>
        %dma_start3A_26 = tpu.memref_squeeze %dma_start3A_25 : memref<1x64xi32, #tpu.memory_space<vmem>> -> memref<64xi32, #tpu.memory_space<vmem>>
        %dma_start3A_27 = arith.constant 0 : i32
        %dma_start3A_28 = arith.constant 0 : i32
        %dma_start3A_29 = tpu.memref_slice %arg10[%dma_start3A_27, %dma_start3A_28] : memref<10240x128xf32, #tpu.memory_space<vmem_shared>> -> memref<10240x128xf32, #tpu.memory_space<vmem_shared>>
        tpu.enqueue_indirect_dma source(%arg9 : memref<64x128xf32, #tpu.memory_space<vmem>>) target(%dma_start3A_29 : memref<10240x128xf32, #tpu.memory_space<vmem_shared>>) offsets(%dma_start3A_26 : memref<64xi32, #tpu.memory_space<vmem>>) semaphore(%run_scoped3A : memref<!tpu.dma_semaphore, #tpu.memory_space<semaphore_mem>>) {add = true}
        %dma_wait3A_30 = arith.constant 0 : i32
        %dma_wait3A_31 = tpu.memref_slice %arg8[%scan3A_13, %dma_wait3A_30] : memref<158x64xi32, #tpu.memory_space<vmem>> -> memref<1x64xi32, #tpu.memory_space<vmem>>
        %dma_wait3A_32 = tpu.memref_squeeze %dma_wait3A_31 : memref<1x64xi32, #tpu.memory_space<vmem>> -> memref<64xi32, #tpu.memory_space<vmem>>
        %dma_wait3A_33 = arith.constant 0 : i32
        %dma_wait3A_34 = arith.constant 0 : i32
        %dma_wait3A_35 = tpu.memref_slice %arg10[%dma_wait3A_33, %dma_wait3A_34] : memref<10240x128xf32, #tpu.memory_space<vmem_shared>> -> memref<10240x128xf32, #tpu.memory_space<vmem_shared>>
        tpu.wait_indirect_dma semaphore(%run_scoped3A : memref<!tpu.dma_semaphore, #tpu.memory_space<semaphore_mem>>) src(%arg9 : memref<64x128xf32, #tpu.memory_space<vmem>>) dst(%dma_wait3A_35 : memref<10240x128xf32, #tpu.memory_space<vmem_shared>>)
        tpu.yield
      }) : () -> ()
    }
    %scan3A_7 = arith.constant 158 : i32
    %barrier3A_8 = arith.constant 0 : index
    tpu.barrier barrier_id(%barrier3A_8)
    %mul3A_9 = arith.constant 640 : i32
    %mul3A_10 = arith.muli %arg1, %mul3A_9 : i32
    %mul3A_11 = arith.constant 640 : i32
    %mul3A_12 = arith.muli %arg1, %mul3A_11 : i32
    "tpu.region"() ({
      %run_scoped3A = tpu.sem_alloc : memref<!tpu.dma_semaphore, #tpu.memory_space<semaphore_mem>>
      %dma_start3A = arith.constant 0 : i32
      %dma_start3A_13 = tpu.memref_slice %arg6[%arg0, %mul3A_12, %dma_start3A] : memref<2x10240x128xf32, #tpu.memory_space<hbm>> -> memref<1x640x128xf32, #tpu.memory_space<hbm>>
      %dma_start3A_14 = tpu.memref_squeeze %dma_start3A_13 : memref<1x640x128xf32, #tpu.memory_space<hbm>> -> memref<640x128xf32, #tpu.memory_space<hbm>>
      %dma_start3A_15 = arith.constant 0 : i32
      %dma_start3A_16 = tpu.memref_slice %arg10[%mul3A_10, %dma_start3A_15] : memref<10240x128xf32, #tpu.memory_space<vmem_shared>> -> memref<640x128xf32, #tpu.memory_space<vmem_shared>>
      tpu.enqueue_dma source(%dma_start3A_16 : memref<640x128xf32, #tpu.memory_space<vmem_shared>>) target(%dma_start3A_14 : memref<640x128xf32, #tpu.memory_space<hbm>>) target_semaphore(%run_scoped3A : memref<!tpu.dma_semaphore, #tpu.memory_space<semaphore_mem>>)
      %dma_wait3A = arith.constant 0 : i32
      %dma_wait3A_17 = tpu.memref_slice %arg6[%arg0, %mul3A_12, %dma_wait3A] : memref<2x10240x128xf32, #tpu.memory_space<hbm>> -> memref<1x640x128xf32, #tpu.memory_space<hbm>>
      %dma_wait3A_18 = tpu.memref_squeeze %dma_wait3A_17 : memref<1x640x128xf32, #tpu.memory_space<hbm>> -> memref<640x128xf32, #tpu.memory_space<hbm>>
      %dma_wait3A_19 = arith.constant 0 : i32
      %dma_wait3A_20 = tpu.memref_slice %arg10[%mul3A_10, %dma_wait3A_19] : memref<10240x128xf32, #tpu.memory_space<vmem_shared>> -> memref<640x128xf32, #tpu.memory_space<vmem_shared>>
      tpu.wait_dma2 semaphore(%run_scoped3A : memref<!tpu.dma_semaphore, #tpu.memory_space<semaphore_mem>>) src(%dma_wait3A_20 : memref<640x128xf32, #tpu.memory_space<vmem_shared>>) dst(%dma_wait3A_18 : memref<640x128xf32, #tpu.memory_space<hbm>>)
      tpu.yield
    }) : () -> ()
    return
  }
}

module attributes {stable_mosaic.version = 14 : i64} {
  func.func @_gcn_scale_body(%arg0: i32, %arg1: memref<1024x128xf32, #tpu.memory_space<vmem>>, %arg2: memref<128x128xf32, #tpu.memory_space<vmem>>, %arg3: memref<1024x128xf32, #tpu.memory_space<vmem>>, %arg4: memref<1024x128xf32, #tpu.memory_space<vmem>>, %arg5: memref<1024x128xf32, #tpu.memory_space<vmem>>, %arg6: memref<1024x1xf32, #tpu.memory_space<vmem>>) attributes {dimension_semantics = [#tpu.dimension_semantics<arbitrary>], iteration_bounds = array<i64: 10>, scalar_prefetch = 0 : i64, scratch_operands = 0 : i64, tpu.core_type = #tpu.core_type<tc>, window_params = [{transform_indices = @transform_0, window_bounds = array<i64: 1024, 128>}, {pipeline_mode = #tpu.pipeline_mode<synchronous>, transform_indices = @transform_1, window_bounds = array<i64: 128, 128>}, {transform_indices = @transform_2, window_bounds = array<i64: 1024, 128>}, {transform_indices = @transform_3, window_bounds = array<i64: 1024, 128>}, {transform_indices = @transform_4, window_bounds = array<i64: 1024, 128>}, {transform_indices = @transform_5, window_bounds = array<i64: 1024, 1>}]} {
    %get3A = arith.constant 0 : index
    %get3A_0 = arith.constant 0 : index
    %get3A_1 = vector.load %arg3[%get3A, %get3A_0] : memref<1024x128xf32, #tpu.memory_space<vmem>>, vector<1024x1xf32>
    %get3A_2 = arith.constant 0 : index
    %get3A_3 = arith.constant 0 : index
    %get3A_4 = vector.load %arg4[%get3A_2, %get3A_3] : memref<1024x128xf32, #tpu.memory_space<vmem>>, vector<1024x1xf32>
    %add3A = arith.addf %get3A_1, %get3A_4 : vector<1024x1xf32>
    %add3A_5 = arith.constant 1.000000e+00 : f32
    %add3A_6 = vector.broadcast %add3A_5 : f32 to vector<1024x1xf32>
    %add3A_7 = arith.addf %add3A, %add3A_6 : vector<1024x1xf32>
    %rsqrt3A = math.rsqrt %add3A_7 : vector<1024x1xf32>
    %get3A_8 = arith.constant 0 : index
    %get3A_9 = arith.constant 0 : index
    %get3A_10 = vector.load %arg1[%get3A_8, %get3A_9] : memref<1024x128xf32, #tpu.memory_space<vmem>>, vector<1024x128xf32>
    %get3A_11 = arith.constant 0 : index
    %get3A_12 = arith.constant 0 : index
    %get3A_13 = vector.load %arg2[%get3A_11, %get3A_12] : memref<128x128xf32, #tpu.memory_space<vmem>>, vector<128x128xf32>
    %dot_general3A = arith.constant dense<0.000000e+00> : vector<1024x128xf32>
    %dot_general3A_14 = tpu.matmul %get3A_10, %get3A_13, %dot_general3A {dimension_numbers = #tpu.dot_dimension_numbers<[1], [0], [0], [1], [0, 0, 1, 1], [], []>, transpose_lhs_hint = false} : vector<1024x128xf32>, vector<128x128xf32>, vector<1024x128xf32> -> vector<1024x128xf32>
    %mul3A = vector.broadcast %rsqrt3A : vector<1024x1xf32> to vector<1024x128xf32>
    %mul3A_15 = arith.mulf %dot_general3A_14, %mul3A : vector<1024x128xf32>
    %swap3A = arith.constant 0 : index
    %swap3A_16 = arith.constant 0 : index
    %swap3A_17 = vector.load %arg5[%swap3A, %swap3A_16] : memref<1024x128xf32, #tpu.memory_space<vmem>>, vector<1024x128xf32>
    tpu.vector_store %arg5[%swap3A, %swap3A_16], %mul3A_15 {strides = array<i32>} : memref<1024x128xf32, #tpu.memory_space<vmem>>, vector<1024x128xf32>,
    %swap3A_18 = arith.constant 0 : index
    %swap3A_19 = arith.constant 0 : index
    %swap3A_20 = vector.load %arg6[%swap3A_18, %swap3A_19] : memref<1024x1xf32, #tpu.memory_space<vmem>>, vector<1024x1xf32>
    tpu.vector_store %arg6[%swap3A_18, %swap3A_19], %rsqrt3A {strides = array<i32>} : memref<1024x1xf32, #tpu.memory_space<vmem>>, vector<1024x1xf32>,
    return
  }
  func.func @transform_0(%arg0: i32) -> (i32, i32) {
    %c0_i32 = arith.constant 0 : i32
    %c0_i32_0 = arith.constant 0 : i32
    return %arg0, %c0_i32 : i32, i32
  }
  func.func @transform_1(%arg0: i32) -> (i32, i32) {
    %c0_i32 = arith.constant 0 : i32
    %c0_i32_0 = arith.constant 0 : i32
    %c0_i32_1 = arith.constant 0 : i32
    return %c0_i32, %c0_i32_0 : i32, i32
  }
  func.func @transform_2(%arg0: i32) -> (i32, i32) {
    %c0_i32 = arith.constant 0 : i32
    %c0_i32_0 = arith.constant 0 : i32
    return %arg0, %c0_i32 : i32, i32
  }
  func.func @transform_3(%arg0: i32) -> (i32, i32) {
    %c0_i32 = arith.constant 0 : i32
    %c0_i32_0 = arith.constant 0 : i32
    return %arg0, %c0_i32 : i32, i32
  }
  func.func @transform_4(%arg0: i32) -> (i32, i32) {
    %c0_i32 = arith.constant 0 : i32
    %c0_i32_0 = arith.constant 0 : i32
    return %arg0, %c0_i32 : i32, i32
  }
  func.func @transform_5(%arg0: i32) -> (i32, i32) {
    %c0_i32 = arith.constant 0 : i32
    %c0_i32_0 = arith.constant 0 : i32
    return %arg0, %c0_i32 : i32, i32
  }
}

module attributes {stable_mosaic.version = 14 : i64} {
  func.func @body(%arg0: i32, %arg1: memref<1024x128xf32, #tpu.memory_space<vmem>>, %arg2: memref<1024x128xf32, #tpu.memory_space<vmem>>, %arg3: memref<1024x128xf32, #tpu.memory_space<vmem>>, %arg4: memref<1024x1xf32, #tpu.memory_space<vmem>>, %arg5: memref<1x128xf32, #tpu.memory_space<vmem>>, %arg6: memref<128x64xf32, #tpu.memory_space<vmem>>, %arg7: memref<1x64xf32, #tpu.memory_space<vmem>>, %arg8: memref<64x64xf32, #tpu.memory_space<vmem>>, %arg9: memref<1x64xf32, #tpu.memory_space<vmem>>, %arg10: memref<64x7xf32, #tpu.memory_space<vmem>>, %arg11: memref<1x7xf32, #tpu.memory_space<vmem>>, %arg12: memref<1x7xf32, #tpu.memory_space<vmem>>, %arg13: memref<10240x128xi32, #tpu.memory_space<vmem>>) attributes {dimension_semantics = [#tpu.dimension_semantics<arbitrary>], iteration_bounds = array<i64: 10>, scalar_prefetch = 0 : i64, scratch_operands = 1 : i64, tpu.core_type = #tpu.core_type<tc>, window_params = [{transform_indices = @transform_0, window_bounds = array<i64: 1024, 128>}, {transform_indices = @transform_1, window_bounds = array<i64: 1024, 128>}, {transform_indices = @transform_2, window_bounds = array<i64: 1024, 128>}, {transform_indices = @transform_3, window_bounds = array<i64: 1024, 1>}, {pipeline_mode = #tpu.pipeline_mode<synchronous>, transform_indices = @transform_4, window_bounds = array<i64: 1, 128>}, {pipeline_mode = #tpu.pipeline_mode<synchronous>, transform_indices = @transform_5, window_bounds = array<i64: 128, 64>}, {pipeline_mode = #tpu.pipeline_mode<synchronous>, transform_indices = @transform_6, window_bounds = array<i64: 1, 64>}, {pipeline_mode = #tpu.pipeline_mode<synchronous>, transform_indices = @transform_7, window_bounds = array<i64: 64, 64>}, {pipeline_mode = #tpu.pipeline_mode<synchronous>, transform_indices = @transform_8, window_bounds = array<i64: 1, 64>}, {pipeline_mode = #tpu.pipeline_mode<synchronous>, transform_indices = @transform_9, window_bounds = array<i64: 64, 7>}, {pipeline_mode = #tpu.pipeline_mode<synchronous>, transform_indices = @transform_10, window_bounds = array<i64: 1, 7>}, {pipeline_mode = #tpu.pipeline_mode<synchronous>, transform_indices = @transform_11, window_bounds = array<i64: 1, 7>}]} {
    %get3A = arith.constant 0 : index
    %get3A_0 = arith.constant 0 : index
    %get3A_1 = vector.load %arg4[%get3A, %get3A_0] : memref<1024x1xf32, #tpu.memory_space<vmem>>, vector<1024x1xf32>
    %get3A_2 = arith.constant 0 : index
    %get3A_3 = arith.constant 0 : index
    %get3A_4 = vector.load %arg1[%get3A_2, %get3A_3] : memref<1024x128xf32, #tpu.memory_space<vmem>>, vector<1024x128xf32>
    %get3A_5 = arith.constant 0 : index
    %get3A_6 = arith.constant 0 : index
    %get3A_7 = vector.load %arg2[%get3A_5, %get3A_6] : memref<1024x128xf32, #tpu.memory_space<vmem>>, vector<1024x128xf32>
    %add3A = arith.addf %get3A_4, %get3A_7 : vector<1024x128xf32>
    %get3A_8 = arith.constant 0 : index
    %get3A_9 = arith.constant 0 : index
    %get3A_10 = vector.load %arg3[%get3A_8, %get3A_9] : memref<1024x128xf32, #tpu.memory_space<vmem>>, vector<1024x128xf32>
    %add3A_11 = arith.addf %add3A, %get3A_10 : vector<1024x128xf32>
    %mul3A = vector.broadcast %get3A_1 : vector<1024x1xf32> to vector<1024x128xf32>
    %mul3A_12 = arith.mulf %mul3A, %add3A_11 : vector<1024x128xf32>
    %get3A_13 = arith.constant 0 : index
    %get3A_14 = arith.constant 0 : index
    %get3A_15 = vector.load %arg5[%get3A_13, %get3A_14] : memref<1x128xf32, #tpu.memory_space<vmem>>, vector<1x128xf32>
    %add3A_16 = vector.broadcast %get3A_15 : vector<1x128xf32> to vector<1024x128xf32>
    %add3A_17 = arith.addf %mul3A_12, %add3A_16 : vector<1024x128xf32>
    %bitcast_convert_type3A = tpu.bitcast %add3A_17 : vector<1024x128xf32> -> vector<1024x128xi32>
    %ge3A = arith.constant -2147483648 : i32
    %ge3A_18 = vector.broadcast %ge3A : i32 to vector<1024x128xi32>
    %ge3A_19 = arith.cmpi uge, %bitcast_convert_type3A, %ge3A_18 : vector<1024x128xi32>
    %not3A = arith.constant dense<-1> : vector<1024x128xi32>
    %not3A_20 = arith.xori %bitcast_convert_type3A, %not3A : vector<1024x128xi32>
    %or3A = arith.constant -2147483648 : i32
    %or3A_21 = vector.broadcast %or3A : i32 to vector<1024x128xi32>
    %or3A_22 = arith.ori %bitcast_convert_type3A, %or3A_21 : vector<1024x128xi32>
    %select_n3A = arith.select %ge3A_19, %not3A_20, %or3A_22 : vector<1024x128xi1>, vector<1024x128xi32>
    %iota3A = tpu.iota {dimensions = array<i32: 0>} : vector<1024x128xi32>
    %mul3A_23 = arith.constant 1024 : i32
    %mul3A_24 = arith.muli %arg0, %mul3A_23 : i32
    %add3A_25 = vector.broadcast %mul3A_24 : i32 to vector<1024x128xi32>
    %add3A_26 = arith.addi %iota3A, %add3A_25 : vector<1024x128xi32>
    %ge3A_27 = arith.constant 10000 : i32
    %ge3A_28 = vector.broadcast %ge3A_27 : i32 to vector<1024x128xi32>
    %ge3A_29 = arith.cmpi sge, %add3A_26, %ge3A_28 : vector<1024x128xi32>
    %jit3A = arith.constant -1 : i32
    %broadcast_in_dim3A = vector.broadcast %jit3A : i32 to vector<1024x128xi32>
    %select_n3A_30 = arith.select %ge3A_29, %broadcast_in_dim3A, %select_n3A : vector<1024x128xi1>, vector<1024x128xi32>
    %mul3A_31 = arith.constant 1024 : i32
    %mul3A_32 = arith.muli %arg0, %mul3A_31 : i32
    %swap3A = arith.index_cast %mul3A_32 : i32 to index
    %swap3A_33 = arith.constant 0 : index
    %swap3A_34 = vector.load %arg13[%swap3A, %swap3A_33] : memref<10240x128xi32, #tpu.memory_space<vmem>>, vector<1024x128xi32>
    tpu.vector_store %arg13[%swap3A, %swap3A_33], %select_n3A_30 {strides = array<i32>} : memref<10240x128xi32, #tpu.memory_space<vmem>>, vector<1024x128xi32>,
    %eq3A = arith.constant 9 : i32
    %eq3A_35 = arith.cmpi eq, %arg0, %eq3A : i32
    %convert_element_type3A = arith.extui %eq3A_35 : i1 to i32
    %cond3A = arith.constant 0 : i32
    %cond3A_36 = arith.cmpi ne, %convert_element_type3A, %cond3A : i32
    scf.if %cond3A_36 {
      %broadcast_in_dim3A_37 = arith.constant 0 : i32
      %broadcast_in_dim3A_38 = vector.broadcast %broadcast_in_dim3A_37 : i32 to vector<1x128xi32>
      %broadcast_in_dim3A_39 = arith.constant 4.999000e+03 : f32
      %broadcast_in_dim3A_40 = vector.broadcast %broadcast_in_dim3A_39 : f32 to vector<1x128xf32>
      %scan3A = arith.constant 0 : i32
      %scan3A_41 = arith.constant 16 : i32
      %scan3A_42 = arith.addi %scan3A, %scan3A_41 : i32
      %scan3A_43 = arith.constant 1 : i32
      %scan3A_44:2 = scf.for %scan3A_85 = %scan3A to %scan3A_42 step %scan3A_43 iter_args(%scan3A_86 = %broadcast_in_dim3A_38, %scan3A_87 = %broadcast_in_dim3A_40) -> (vector<1x128xi32>, vector<1x128xf32>)  : i32 {
        %mul3A_88 = arith.constant 2 : i32
        %mul3A_89 = arith.muli %mul3A_88, %scan3A_85 : i32
        %sub3A = arith.constant 30 : i32
        %sub3A_90 = arith.subi %sub3A, %mul3A_89 : i32
        %shift_left3A = arith.constant 4 : i32
        %shift_left3A_91 = arith.shli %shift_left3A, %sub3A_90 : i32
        %sub3A_92 = arith.constant 1 : i32
        %sub3A_93 = arith.subi %shift_left3A_91, %sub3A_92 : i32
        %not3A_94 = arith.constant -1 : i32
        %not3A_95 = arith.xori %sub3A_93, %not3A_94 : i32
        %broadcast_in_dim3A_96 = arith.constant 0.000000e+00 : f32
        %broadcast_in_dim3A_97 = vector.broadcast %broadcast_in_dim3A_96 : f32 to vector<1x128xf32>
        %scan3A_98 = arith.constant 0 : i32
        %scan3A_99 = arith.constant 10 : i32
        %scan3A_100 = arith.addi %scan3A_98, %scan3A_99 : i32
        %scan3A_101 = arith.constant 1 : i32
        %scan3A_102:3 = scf.for %scan3A_130 = %scan3A_98 to %scan3A_100 step %scan3A_101 iter_args(%scan3A_131 = %broadcast_in_dim3A_97, %scan3A_132 = %broadcast_in_dim3A_97, %scan3A_133 = %broadcast_in_dim3A_97) -> (vector<1x128xf32>, vector<1x128xf32>, vector<1x128xf32>)  : i32 {
          %mul3A_134 = arith.constant 1024 : i32
          %mul3A_135 = arith.muli %scan3A_130, %mul3A_134 : i32
          %get3A_136 = arith.index_cast %mul3A_135 : i32 to index
          %get3A_137 = arith.constant 0 : index
          %get3A_138 = vector.load %arg13[%get3A_136, %get3A_137] : memref<10240x128xi32, #tpu.memory_space<vmem>>, vector<1024x128xi32>
          %and3A = vector.broadcast %not3A_95 : i32 to vector<1024x128xi32>
          %and3A_139 = arith.andi %get3A_138, %and3A : vector<1024x128xi32>
          %eq3A_140 = vector.broadcast %scan3A_86 : vector<1x128xi32> to vector<1024x128xi32>
          %eq3A_141 = arith.cmpi eq, %and3A_139, %eq3A_140 : vector<1024x128xi32>
          %shift_right_logical3A = vector.broadcast %sub3A_90 : i32 to vector<1024x128xi32>
          %shift_right_logical3A_142 = arith.shrui %get3A_138, %shift_right_logical3A : vector<1024x128xi32>
          %and3A_143 = arith.constant 3 : i32
          %and3A_144 = vector.broadcast %and3A_143 : i32 to vector<1024x128xi32>
          %and3A_145 = arith.andi %shift_right_logical3A_142, %and3A_144 : vector<1024x128xi32>
          %eq3A_146 = arith.constant 0 : i32
          %eq3A_147 = vector.broadcast %eq3A_146 : i32 to vector<1024x128xi32>
          %eq3A_148 = arith.cmpi eq, %and3A_145, %eq3A_147 : vector<1024x128xi32>
          %and3A_149 = arith.andi %eq3A_141, %eq3A_148 : vector<1024x128xi1>
          %jit3A_150 = arith.constant 1.000000e+00 : f32
          %jit3A_151 = arith.constant 0.000000e+00 : f32
          %broadcast_in_dim3A_152 = vector.broadcast %jit3A_150 : f32 to vector<1024x128xf32>
          %broadcast_in_dim3A_153 = vector.broadcast %jit3A_151 : f32 to vector<1024x128xf32>
          %select_n3A_154 = arith.select %and3A_149, %broadcast_in_dim3A_152, %broadcast_in_dim3A_153 : vector<1024x128xi1>, vector<1024x128xf32>
          %reduce_sum3A = arith.constant dense<0.000000e+00> : vector<128xf32>
          %reduce_sum3A_155 = vector.multi_reduction <add>, %select_n3A_154, %reduce_sum3A [0] : vector<1024x128xf32> to vector<128xf32>
          %broadcast_in_dim3A_156 = vector.shape_cast %reduce_sum3A_155 : vector<128xf32> to vector<1x128xf32>
          %add3A_157 = arith.addf %scan3A_131, %broadcast_in_dim3A_156 : vector<1x128xf32>
          %eq3A_158 = arith.constant 1 : i32
          %eq3A_159 = vector.broadcast %eq3A_158 : i32 to vector<1024x128xi32>
          %eq3A_160 = arith.cmpi eq, %and3A_145, %eq3A_159 : vector<1024x128xi32>
          %and3A_161 = arith.andi %eq3A_141, %eq3A_160 : vector<1024x128xi1>
          %jit3A_162 = arith.constant 1.000000e+00 : f32
          %jit3A_163 = arith.constant 0.000000e+00 : f32
          %broadcast_in_dim3A_164 = vector.broadcast %jit3A_162 : f32 to vector<1024x128xf32>
          %broadcast_in_dim3A_165 = vector.broadcast %jit3A_163 : f32 to vector<1024x128xf32>
          %select_n3A_166 = arith.select %and3A_161, %broadcast_in_dim3A_164, %broadcast_in_dim3A_165 : vector<1024x128xi1>, vector<1024x128xf32>
          %reduce_sum3A_167 = arith.constant dense<0.000000e+00> : vector<128xf32>
          %reduce_sum3A_168 = vector.multi_reduction <add>, %select_n3A_166, %reduce_sum3A_167 [0] : vector<1024x128xf32> to vector<128xf32>
          %broadcast_in_dim3A_169 = vector.shape_cast %reduce_sum3A_168 : vector<128xf32> to vector<1x128xf32>
          %add3A_170 = arith.addf %scan3A_132, %broadcast_in_dim3A_169 : vector<1x128xf32>
          %eq3A_171 = arith.constant 2 : i32
          %eq3A_172 = vector.broadcast %eq3A_171 : i32 to vector<1024x128xi32>
          %eq3A_173 = arith.cmpi eq, %and3A_145, %eq3A_172 : vector<1024x128xi32>
          %and3A_174 = arith.andi %eq3A_141, %eq3A_173 : vector<1024x128xi1>
          %jit3A_175 = arith.constant 1.000000e+00 : f32
          %jit3A_176 = arith.constant 0.000000e+00 : f32
          %broadcast_in_dim3A_177 = vector.broadcast %jit3A_175 : f32 to vector<1024x128xf32>
          %broadcast_in_dim3A_178 = vector.broadcast %jit3A_176 : f32 to vector<1024x128xf32>
          %select_n3A_179 = arith.select %and3A_174, %broadcast_in_dim3A_177, %broadcast_in_dim3A_178 : vector<1024x128xi1>, vector<1024x128xf32>
          %reduce_sum3A_180 = arith.constant dense<0.000000e+00> : vector<128xf32>
          %reduce_sum3A_181 = vector.multi_reduction <add>, %select_n3A_179, %reduce_sum3A_180 [0] : vector<1024x128xf32> to vector<128xf32>
          %broadcast_in_dim3A_182 = vector.shape_cast %reduce_sum3A_181 : vector<128xf32> to vector<1x128xf32>
          %add3A_183 = arith.addf %scan3A_133, %broadcast_in_dim3A_182 : vector<1x128xf32>
          scf.yield %add3A_157, %add3A_170, %add3A_183 : vector<1x128xf32>, vector<1x128xf32>, vector<1x128xf32>
        }
        %scan3A_103 = arith.constant 10 : i32
        %ge3A_104 = arith.cmpf oge, %scan3A_87, %scan3A_102#0 : vector<1x128xf32>
        %add3A_105 = arith.addf %scan3A_102#0, %scan3A_102#1 : vector<1x128xf32>
        %ge3A_106 = arith.cmpf oge, %scan3A_87, %add3A_105 : vector<1x128xf32>
        %add3A_107 = arith.addf %scan3A_102#0, %scan3A_102#1 : vector<1x128xf32>
        %add3A_108 = arith.addf %add3A_107, %scan3A_102#2 : vector<1x128xf32>
        %ge3A_109 = arith.cmpf oge, %scan3A_87, %add3A_108 : vector<1x128xf32>
        %convert_element_type3A_110 = arith.extui %ge3A_104 : vector<1x128xi1> to vector<1x128xi32>
        %convert_element_type3A_111 = arith.extui %ge3A_106 : vector<1x128xi1> to vector<1x128xi32>
        %add3A_112 = arith.addi %convert_element_type3A_110, %convert_element_type3A_111 : vector<1x128xi32>
        %convert_element_type3A_113 = arith.extui %ge3A_109 : vector<1x128xi1> to vector<1x128xi32>
        %add3A_114 = arith.addi %add3A_112, %convert_element_type3A_113 : vector<1x128xi32>
        %jit3A_115 = arith.constant 0.000000e+00 : f32
        %broadcast_in_dim3A_116 = vector.broadcast %jit3A_115 : f32 to vector<1x128xf32>
        %select_n3A_117 = arith.select %ge3A_104, %scan3A_102#0, %broadcast_in_dim3A_116 : vector<1x128xi1>, vector<1x128xf32>
        %sub3A_118 = arith.subf %scan3A_87, %select_n3A_117 : vector<1x128xf32>
        %jit3A_119 = arith.constant 0.000000e+00 : f32
        %broadcast_in_dim3A_120 = vector.broadcast %jit3A_119 : f32 to vector<1x128xf32>
        %select_n3A_121 = arith.select %ge3A_106, %scan3A_102#1, %broadcast_in_dim3A_120 : vector<1x128xi1>, vector<1x128xf32>
        %sub3A_122 = arith.subf %sub3A_118, %select_n3A_121 : vector<1x128xf32>
        %jit3A_123 = arith.constant 0.000000e+00 : f32
        %broadcast_in_dim3A_124 = vector.broadcast %jit3A_123 : f32 to vector<1x128xf32>
        %select_n3A_125 = arith.select %ge3A_109, %scan3A_102#2, %broadcast_in_dim3A_124 : vector<1x128xi1>, vector<1x128xf32>
        %sub3A_126 = arith.subf %sub3A_122, %select_n3A_125 : vector<1x128xf32>
        %shift_left3A_127 = vector.broadcast %sub3A_90 : i32 to vector<1x128xi32>
        %shift_left3A_128 = arith.shli %add3A_114, %shift_left3A_127 : vector<1x128xi32>
        %or3A_129 = arith.ori %scan3A_86, %shift_left3A_128 : vector<1x128xi32>
        scf.yield %or3A_129, %sub3A_126 : vector<1x128xi32>, vector<1x128xf32>
      }
      %scan3A_45 = arith.constant 16 : i32
      %ge3A_46 = arith.constant -2147483648 : i32
      %ge3A_47 = vector.broadcast %ge3A_46 : i32 to vector<1x128xi32>
      %ge3A_48 = arith.cmpi uge, %scan3A_44#0, %ge3A_47 : vector<1x128xi32>
      %xor3A = arith.constant -2147483648 : i32
      %xor3A_49 = vector.broadcast %xor3A : i32 to vector<1x128xi32>
      %xor3A_50 = arith.xori %scan3A_44#0, %xor3A_49 : vector<1x128xi32>
      %not3A_51 = arith.constant dense<-1> : vector<1x128xi32>
      %not3A_52 = arith.xori %scan3A_44#0, %not3A_51 : vector<1x128xi32>
      %select_n3A_53 = arith.select %ge3A_48, %xor3A_50, %not3A_52 : vector<1x128xi1>, vector<1x128xi32>
      %bitcast_convert_type3A_54 = tpu.bitcast %select_n3A_53 : vector<1x128xi32> -> vector<1x128xf32>
      %get3A_55 = arith.constant 0 : index
      %get3A_56 = arith.constant 0 : index
      %get3A_57 = vector.load %arg6[%get3A_55, %get3A_56] : memref<128x64xf32, #tpu.memory_space<vmem>>, vector<128x64xf32>
      %dot_general3A = arith.constant dense<0.000000e+00> : vector<1x64xf32>
      %dot_general3A_58 = tpu.matmul %bitcast_convert_type3A_54, %get3A_57, %dot_general3A {dimension_numbers = #tpu.dot_dimension_numbers<[1], [0], [0], [1], [0, 0, 1, 1], [], []>, transpose_lhs_hint = false} : vector<1x128xf32>, vector<128x64xf32>, vector<1x64xf32> -> vector<1x64xf32>
      %get3A_59 = arith.constant 0 : index
      %get3A_60 = arith.constant 0 : index
      %get3A_61 = vector.load %arg7[%get3A_59, %get3A_60] : memref<1x64xf32, #tpu.memory_space<vmem>>, vector<1x64xf32>
      %add3A_62 = arith.addf %dot_general3A_58, %get3A_61 : vector<1x64xf32>
      %tanh3A = math.tanh %add3A_62 : vector<1x64xf32>
      %get3A_63 = arith.constant 0 : index
      %get3A_64 = arith.constant 0 : index
      %get3A_65 = vector.load %arg8[%get3A_63, %get3A_64] : memref<64x64xf32, #tpu.memory_space<vmem>>, vector<64x64xf32>
      %dot_general3A_66 = arith.constant dense<0.000000e+00> : vector<1x64xf32>
      %dot_general3A_67 = tpu.matmul %tanh3A, %get3A_65, %dot_general3A_66 {dimension_numbers = #tpu.dot_dimension_numbers<[1], [0], [0], [1], [0, 0, 1, 1], [], []>, transpose_lhs_hint = false} : vector<1x64xf32>, vector<64x64xf32>, vector<1x64xf32> -> vector<1x64xf32>
      %get3A_68 = arith.constant 0 : index
      %get3A_69 = arith.constant 0 : index
      %get3A_70 = vector.load %arg9[%get3A_68, %get3A_69] : memref<1x64xf32, #tpu.memory_space<vmem>>, vector<1x64xf32>
      %add3A_71 = arith.addf %dot_general3A_67, %get3A_70 : vector<1x64xf32>
      %tanh3A_72 = math.tanh %add3A_71 : vector<1x64xf32>
      %get3A_73 = arith.constant 0 : index
      %get3A_74 = arith.constant 0 : index
      %get3A_75 = vector.load %arg10[%get3A_73, %get3A_74] : memref<64x7xf32, #tpu.memory_space<vmem>>, vector<64x7xf32>
      %dot_general3A_76 = arith.constant dense<0.000000e+00> : vector<1x7xf32>
      %dot_general3A_77 = tpu.matmul %tanh3A_72, %get3A_75, %dot_general3A_76 {dimension_numbers = #tpu.dot_dimension_numbers<[1], [0], [0], [1], [0, 0, 1, 1], [], []>, transpose_lhs_hint = false} : vector<1x64xf32>, vector<64x7xf32>, vector<1x7xf32> -> vector<1x7xf32>
      %get3A_78 = arith.constant 0 : index
      %get3A_79 = arith.constant 0 : index
      %get3A_80 = vector.load %arg11[%get3A_78, %get3A_79] : memref<1x7xf32, #tpu.memory_space<vmem>>, vector<1x7xf32>
      %add3A_81 = arith.addf %dot_general3A_77, %get3A_80 : vector<1x7xf32>
      %swap3A_82 = arith.constant 0 : index
      %swap3A_83 = arith.constant 0 : index
      %swap3A_84 = vector.load %arg12[%swap3A_82, %swap3A_83] : memref<1x7xf32, #tpu.memory_space<vmem>>, vector<1x7xf32>
      tpu.vector_store %arg12[%swap3A_82, %swap3A_83], %add3A_81 {strides = array<i32>} : memref<1x7xf32, #tpu.memory_space<vmem>>, vector<1x7xf32>,
    } else {
    }
    return
  }
  func.func @transform_0(%arg0: i32) -> (i32, i32) {
    %c0_i32 = arith.constant 0 : i32
    %c0_i32_0 = arith.constant 0 : i32
    return %arg0, %c0_i32 : i32, i32
  }
  func.func @transform_1(%arg0: i32) -> (i32, i32) {
    %c0_i32 = arith.constant 0 : i32
    %c0_i32_0 = arith.constant 0 : i32
    return %arg0, %c0_i32 : i32, i32
  }
  func.func @transform_2(%arg0: i32) -> (i32, i32) {
    %c0_i32 = arith.constant 0 : i32
    %c0_i32_0 = arith.constant 0 : i32
    return %arg0, %c0_i32 : i32, i32
  }
  func.func @transform_3(%arg0: i32) -> (i32, i32) {
    %c0_i32 = arith.constant 0 : i32
    %c0_i32_0 = arith.constant 0 : i32
    return %arg0, %c0_i32 : i32, i32
  }
  func.func @transform_4(%arg0: i32) -> (i32, i32) {
    %c0_i32 = arith.constant 0 : i32
    %c0_i32_0 = arith.constant 0 : i32
    %c0_i32_1 = arith.constant 0 : i32
    return %c0_i32, %c0_i32_0 : i32, i32
  }
  func.func @transform_5(%arg0: i32) -> (i32, i32) {
    %c0_i32 = arith.constant 0 : i32
    %c0_i32_0 = arith.constant 0 : i32
    %c0_i32_1 = arith.constant 0 : i32
    return %c0_i32, %c0_i32_0 : i32, i32
  }
  func.func @transform_6(%arg0: i32) -> (i32, i32) {
    %c0_i32 = arith.constant 0 : i32
    %c0_i32_0 = arith.constant 0 : i32
    %c0_i32_1 = arith.constant 0 : i32
    return %c0_i32, %c0_i32_0 : i32, i32
  }
  func.func @transform_7(%arg0: i32) -> (i32, i32) {
    %c0_i32 = arith.constant 0 : i32
    %c0_i32_0 = arith.constant 0 : i32
    %c0_i32_1 = arith.constant 0 : i32
    return %c0_i32, %c0_i32_0 : i32, i32
  }
  func.func @transform_8(%arg0: i32) -> (i32, i32) {
    %c0_i32 = arith.constant 0 : i32
    %c0_i32_0 = arith.constant 0 : i32
    %c0_i32_1 = arith.constant 0 : i32
    return %c0_i32, %c0_i32_0 : i32, i32
  }
  func.func @transform_9(%arg0: i32) -> (i32, i32) {
    %c0_i32 = arith.constant 0 : i32
    %c0_i32_0 = arith.constant 0 : i32
    %c0_i32_1 = arith.constant 0 : i32
    return %c0_i32, %c0_i32_0 : i32, i32
  }
  func.func @transform_10(%arg0: i32) -> (i32, i32) {
    %c0_i32 = arith.constant 0 : i32
    %c0_i32_0 = arith.constant 0 : i32
    %c0_i32_1 = arith.constant 0 : i32
    return %c0_i32, %c0_i32_0 : i32, i32
  }
  func.func @transform_11(%arg0: i32) -> (i32, i32) {
    %c0_i32 = arith.constant 0 : i32
    %c0_i32_0 = arith.constant 0 : i32
    %c0_i32_1 = arith.constant 0 : i32
    return %c0_i32, %c0_i32_0 : i32, i32
  }
}

</mosaic_0001>

<sc_bundles>
// kernel: kernel.6.cloned.1.call-start
scs
__scs_entry_jumppad:
0x0: {  	(pc) =	sbr.rel $0x88, $3  }
0x1: {  	(tag) =	ssettag $0x0;
	lr =	simm.s32 $0x1  }
0x2: {  	[smem:$0x3F97] =	sst lr;
	_ =	strace $0xD0000000  }
0x3: {  	_ = 	snop  }
0x4: {  	_ = 	snop  }
0x5: {  	_ = 	snop  }
0x6: {  	_ = 	snop  }
0x7: {  	_ = 	snop  }
__scs_overlays_trampoline_lowered:
0x8: {  	[smem:$0x3FA6] =	sst s0  }
0x9: {  	[smem:$0x3FA7] =	sst s1  }
0xa: {  	[smem:$0x3FA8] =	sst s2  }
0xb: {  	[smem:$0x3FA9] =	sst s3  }
0xc: {  	[smem:$0x3FAA] =	sst s4  }
0xd: {  	[smem:$0x3FAB] =	sst s5  }
0xe: {  	[smem:$0x3FAC] =	sst s6  }
0xf: {  	[smem:$0x3FAD] =	sst s7  }
0x10: {  	[smem:$0x3FAE] =	sst s8  }
0x11: {  	[smem:$0x3FAF] =	sst s9;
	s0 =	simm.s32 @!p0 $0x0  }
0x12: {  	s1 =	sld [smem:$0x3F95];
	s0 =	simm.s32 @p0 $0x1  }
0x13: {  	[smem:$0x3FB0] =	sst s0;
	s0 =	simm.s32 @!p1 $0x0  }
0x14: {  	s2 =	sld [smem:$0x3F94];
	s0 =	simm.s32 @p1 $0x1  }
0x15: {  	[smem:$0x3FB1] =	sst s0;
	s0 =	simm.s32 @!p2 $0x0  }
0x16: {  	s3 =	sld [smem:$0x3FDB];
	s0 =	simm.s32 @p2 $0x1  }
0x17: {  	s4 =	simm.s32 $0x1BF5;
	[smem:$0x3FB3] =	sst s0  }
0x18: {  	s0 =	sld [smem:$0x3F96];
	_ =	swait.ge [sflag:s4], $0x0  }
0x19: {  	s7 =	sld [smem:$0x3F97]  }
0x1a: {  	s8 =	sadd.s32 $0xFFFFE003, lr  }
0x1b: {  	s9 =	sadd.s32 $0xFFFFFEF7, lr;
	s5 =	simm.s32 $0xFFFFFFFF;
	p2 =	slt.u32 s8, $0xFFFFF086  }
0x1c: {  	p1 =	slt.u32 s9, $0xF7A;
	s5 =	simm.s32 @!p2 $0x0  }
0x1d: {  	s5 =	simm.s32 @p1 $0x1;
	p0 =	seq.s32 s7, s2  }
0x1e: {  	s7 =	smul.u32 @!p0 $0xF7A, s2;
	p2 =	seq.s32 @!p0 s5, $0x0  }
0x1f: {  	s9 =	smul.u32 $0xF7A, s1;
	s8 =	simm.s32 @!p0 $0x1BF5;
	p2 =	por !p2, p0  }
0x20: {  	[sflag:s8] =	ssyncset.s32 @!p0 $0xFFFFF086;
	s6 =	sadd.s32 @!p0 s3, s7;
	s7 =	simm.s32 @!p0 $0x108  }
0x21: {  	s3 =	sadd.s32 s3, s9;
	s6 =	sadd.s32 @!p0 $0x88, s6;
	s7 =	simm.s32 @p2 $0x1082  }
0x22: {  	[simem:s7], [sflag:s8] =	dma.local @!p0 [hbm:s6], $0xF7A  }
0x23: {  	s9 =	sor.u32 $0xD0000000, s2;
	s6 =	simm.s32 $0x108;
	_ =	swait.ge @!p0 [sflag:s8], $0x0  }
0x24: {  	s3 =	sadd.s32 $0x88, s3;
	s6 =	simm.s32 @!p1 $0x1082;
	[sflag:s4] =	ssyncset.s32 $0xFFFFF086  }
0x25: {  	[simem:s6], [sflag:s4] =	dma.local [hbm:s3], $0xF7A  }
0x26: {  	[smem:$0x3F97] =	sst s1;
	(tag) =	ssettag s2;
	_ =	strace s9  }
0x27: {  	s1 =	sld [smem:$0x3FA7]  }
0x28: {  	s2 =	sld [smem:$0x3FA8]  }
0x29: {  	s4 =	sld [smem:$0x3FAA]  }
0x2a: {  	p0 =	seq.s32 s5, $0x0;
	s5 =	sld [smem:$0x3FAB]  }
0x2b: {  	s6 =	sld [smem:$0x3FAC]  }
0x2c: {  	s7 =	sld [smem:$0x3FAD]  }
0x2d: {  	s3 =	simm.s32 $0x108;
	s8 =	sld [smem:$0x3FAE]  }
0x2e: {  	s3 =	simm.s32 @!p0 $0x1082;
	s9 =	sld [smem:$0x3FAF]  }
0x2f: {  	lr =	sadd.s32 s0, s3;
	s0 =	sld [smem:$0x3FA6]  }
0x30: {  	s3 =	sld [smem:$0x3FA9]  }
0x31: {  	[smem:$0x3FB2] =	sst s10  }
0x32: {  	s10 =	sld [smem:$0x3FB0];
	_ =	sdelay $0x3  }
0x33: {  	p0 =	seq.s32 s10, $0x1;
	s10 =	sld [smem:$0x3FB2];
	_ =	sdelay $0x3  }
0x34: {  	[smem:$0x3FB2] =	sst s10  }
0x35: {  	s10 =	sld [smem:$0x3FB1];
	_ =	sdelay $0x3  }
0x36: {  	p1 =	seq.s32 s10, $0x1;
	s10 =	sld [smem:$0x3FB2];
	_ =	sdelay $0x3  }
0x37: {  	[smem:$0x3FB2] =	sst s10  }
0x38: {  	s10 =	sld [smem:$0x3FB3]  }
0x39: {  	_ = 	snop;
	(pc) =	sbr.ind lr, $3  }
0x3a: {  	_ = 	snop  }
0x3b: {  	_ = 	snop  }
0x3c: {  	p2 =	seq.s32 s10, $0x1;
	s10 =	sld [smem:$0x3FB2]  }
0x3d: {  	_ =	shalt  }
0x3e: {  	_ =	shalt  }
0x3f: {  	_ =	shalt  }
0x40: {  	_ =	shalt  }
0x41: {  	_ =	shalt  }
0x42: {  	_ =	shalt  }
0x43: {  	_ =	shalt  }
0x44: {  	_ =	shalt  }
0x45: {  	_ =	shalt  }
0x46: {  	_ =	shalt  }
0x47: {  	_ =	shalt  }
0x48: {  	_ =	shalt  }
0x49: {  	_ =	shalt  }
0x4a: {  	_ =	shalt  }
0x4b: {  	_ =	shalt  }
0x4c: {  	_ =	shalt  }
0x4d: {  	_ =	shalt  }
0x4e: {  	_ =	shalt  }
0x4f: {  	_ =	shalt  }
0x50: {  	_ =	shalt  }
0x51: {  	_ =	shalt  }
0x52: {  	_ =	shalt  }
0x53: {  	_ =	shalt  }
0x54: {  	_ =	shalt  }
0x55: {  	_ =	shalt  }
0x56: {  	_ =	shalt  }
0x57: {  	_ =	shalt  }
0x58: {  	_ =	shalt  }
0x59: {  	_ =	shalt  }
0x5a: {  	_ =	shalt  }
0x5b: {  	_ =	shalt  }
0x5c: {  	_ =	shalt  }
0x5d: {  	_ =	shalt  }
0x5e: {  	_ =	shalt  }
0x5f: {  	_ =	shalt  }
0x60: {  	_ =	shalt  }
0x61: {  	_ =	shalt  }
0x62: {  	_ =	shalt  }
0x63: {  	_ =	shalt  }
0x64: {  	_ =	shalt  }
0x65: {  	_ =	shalt  }
0x66: {  	_ =	shalt  }
0x67: {  	_ =	shalt  }
0x68: {  	_ =	shalt  }
0x69: {  	_ =	shalt  }
0x6a: {  	_ =	shalt  }
0x6b: {  	_ =	shalt  }
0x6c: {  	_ =	shalt  }
0x6d: {  	_ =	shalt  }
0x6e: {  	_ =	shalt  }
0x6f: {  	_ =	shalt  }
0x70: {  	_ =	shalt  }
0x71: {  	_ =	shalt  }
0x72: {  	_ =	shalt  }
0x73: {  	_ =	shalt  }
0x74: {  	_ =	shalt  }
0x75: {  	_ =	shalt  }
0x76: {  	_ =	shalt  }
0x77: {  	_ =	shalt  }
0x78: {  	_ =	shalt  }
0x79: {  	_ =	shalt  }
0x7a: {  	_ =	shalt  }
0x7b: {  	_ =	shalt  }
0x7c: {  	_ =	shalt  }
0x7d: {  	_ =	shalt  }
0x7e: {  	_ =	shalt  }
0x7f: {  	_ =	shalt  }
0x80: {  	_ =	shalt  }
0x81: {  	_ =	shalt  }
0x82: {  	_ =	shalt  }
0x83: {  	_ =	shalt  }
0x84: {  	_ =	shalt  }
0x85: {  	_ =	shalt  }
0x86: {  	_ =	shalt  }
0x87: {  	_ =	shalt  }
.Lfunc_end0:
.L_simem_size_0:
called_computation_lowered:
.L_overlay_start_0:
0x88: {  	s2 =	sld [smem:$0x3FD9]  }
0x89: {  	s3 =	sld [smem:$0x3FFE];
	_ =	sdelay $0x1  }
0x8a: {  	s1 =	srdreg.scid  }
0x8b: {  	s0 =	sand.u32 $0x1, s1  }
0x8c: {  	s16 =	sshll.u32 s0, $0xA;
	s2 =	sadd.s32 s3, s2  }
0x8d: {  	s2 =	sadd.s32 s2, s16  }
0x8e: {  	[smem:$0x3FBE] =	sst s2  }
0x8f: {  	_ = 	snop  }
0x90: {  	(tm) =	ssettm $0x1  }
0x91: {  	s17 =	sld [smem:$0x3FFB];
	_ =	sdelay $0x3  }
0x92: {  	_ =	strace s17  }
0x93: {  	s2 =	sld [smem:$0x3FFC];
	_ =	sdelay $0x3  }
0x94: {  	_ =	strace s2  }
0x95: {  	s2 =	sld [smem:$0x3FFD];
	_ =	sdelay $0x3  }
0x96: {  	_ =	strace s2  }
0x97: {  	_ =	strace $0x8FFFFFFF  }
0x98: {  	s18 =	sld [smem:$0x3FDB];
	_ =	sdelay $0x1  }
0x99: {  	s19 =	simm.s32 $_scs_section_size  }
0x9a: {  	s4 =	simm.s32 $_size__tile_overlayer_lowered;
	s5 =	simm.s32 $_tile_overlayer_lowered  }
0x9b: {  	s22 =	simm.s32 $0x1BFF;
	s21 =	sshll.u32 s5, $0x1;
	s2 =	sadd.s32 s19, s18  }
0x9c: {  	s6 =	simm.s32 $0x0;
	s20 =	sshll.u32 s4, $0x1;
	s4 =	sadd.s32 s21, s2  }
0x9d: {  	[timem:s6], [sflag:s22] =	dma.local [hbm:s4], s20  }
0x9e: {  	_ =	swait.ge [sflag:s22], s20  }
0x9f: {  	s3 =	ssub.s32 $0x0, s20;
	[sflag:s22] =	ssyncset.done $0x0  }
0xa0: {  	[sflag:s22] =	ssyncadd.s32 s3;
	_ =	sdelay $0x1  }
0xa1: {  	s23 =	simm.s32 $0x1B8B  }
0xa2: {  	_ =	swait.ge [sflag:s23], $0x1  }
0xa3: {  	[sflag:s23] =	ssyncset.done $0x0  }
0xa4: {  	s25 =	simm.s32 $0x1B8E;
	s24 =	sld [smem:$0x3FFE];
	[sflag:s23] =	ssyncadd.s32 $0xFFFFFFFF  }
0xa5: {  	s26 =	simm.s32 $execute0_lowered;
	[smem:$0x3FD2] =	sst s25  }
0xa6: {  	s4 =	sshll.u32 s26, $0x1;
	_ =	strace $0x80000046;
	[dreg:$0x1] =	wrdreg $0xFFFFFFFF  }
0xa7: {  	s28 =	simm.s32 $_size_execute0_lowered;
	s2 =	sadd.s32 s2, s4;
	[dreg:$0x0] =	wrdreg $0x0  }
0xa8: {  	s4 =	sshll.u32 s28, $0x1;
	[dreg:$0x2] =	wrdreg s2  }
0xa9: {  	[dreg:$0x3] =	wrdreg s4  }
0xaa: {  	[dreg:$0x4] =	wrdreg $0xC0  }
0xab: {  	_ =	task [dreg:s6], $0x5FFFF  }
0xac: {  	[dreg:$0x1] =	wrdreg $0xFFFFFFFF  }
0xad: {  	[dreg:$0x0] =	wrdreg $0x60  }
0xae: {  	[dreg:$0x2] =	wrdreg s24  }
0xaf: {  	[dreg:$0x3] =	wrdreg $0x68000  }
0xb0: {  	[dreg:$0x4] =	wrdreg $0x9  }
0xb1: {  	_ =	task.clear_ibuf [dreg:s6], $0x5FFFF;
	_ =	strace $0x90000046  }
0xb2: {  	s29 =	simm.s32 $0x9;
	_ =	strace $0x80000048  }
0xb3: {  	_ =	swait.ge [sflag:s29], $0x1  }
0xb4: {  	[sflag:s29] =	ssyncadd.s32 $0xFFFFFFFF  }
0xb5: {  	_ =	strace $0x90000048  }
0xb6: {  	_ =	sfence  }
0xb7: {  	s30 =	sld [smem:$0x0];
	_ =	sdelay $0x2  }
0xb8: {  	s31 =	sshll.u32 s1, $0xD;
	s1 =	sshrl.u32 s1, $0x2  }
0xb9: {  	s3 =	sand.u32 $0x4000, s31;
	s1 =	sadd.s32 s1, s30  }
0xba: {  	s0 =	sor.u32 s3, s0;
	s1 =	sshll.u32 s1, $0x11  }
0xbb: {  	s0 =	sor.u32 s1, s0  }
0xbc: {  	s0 =	sadd.s32 $0x8F2B, s0  }
0xbd: {  	[sflag:s0] =	ssyncadd.remote.s32 $0x1  }
0xbe: {  	_ =	sfence.sel $0xFFFF  }
0xbf: {  	[dreg:$0x0] =	wrdreg $0xFFFFFFFF;
	(pc) =	sbr.abs _section_cstart, $3  }
0xc0: {  	[dreg:$0x1] =	wrdreg $0xFFFFFFFF  }
0xc1: {  	_ =	task.clear_ibuf [dreg:s6], $0x2FFFF;
	_ =	strace $0x9FFFFFFF  }
0xc2: {  	(tm) =	ssettm $0x7FFFFFFF  }
0xc3: {  	_ =	shalt  }
tec
execute0_lowered:
.L_overlay_start_1:
0x0: {  	(tag) =	ssettag $0x1  }
0x1: {  	s7 =	rddreg [dreg:$0x0]  }
0x2: {  	s0 =	srdreg.scid;
	s2 =	rddreg [dreg:$0x1]  }
0x3: {  	s3 =	simm.s32 $0x0;
	s12 =	simm.s32 $0x2800;
	s6 =	sand.u32 $0x1, s0  }
0x4: {  	s13 =	simm.s32 $0x80;
	s0 =	stileid.u32;
	s5 =	smul.u32 $0x140000, s6  }
0x5: {  	s14 =	simm.s32 $0x0;
	[smem:$0x7FF] =	sst s3;
	s8 =	smul.u32 $0x14000, s0  }
0x6: {  	s1 =	sshll.u32 s6, $0x4;
	s10 =	smul.u32 $0x50000, s0;
	s6 =	ssub.s32 $0x2, s6  }
0x7: {  	s31 =	sshll.u32 s0, $0x6;
	s1 =	sor.u32 s0, s1;
	s30 =	sshrl.u32 s6, $0x1  }
0x8: {  	s4 =	smul.u32 $0x500, s1;
	s1 =	rddreg [dreg:$0x2];
	_ =	strace $0x80000047  }
0x9: {  	s8 =	sadd.s32 s8, s5;
	s5 =	sadd.s32 $0xC800, s7;
	s10 =	sshrl.u32 s10, $0x2  }
0xa: {  	s11 =	ssub.s32 s6, s30;
	s6 =	sor.u32 $0x1C01, s31;
	s8 =	sshrl.u32 s8, $0x3  }
0xb: {  	s10 =	sadd.s32 s10, s2;
	s9 =	sadd.s32 s4, s7;
	s4 =	sadd.s32 $0xF000, s7  }
0xc: {  	s8 =	sadd.s32 s8, s7;
	s10 =	sshrl.u32 s10, $0x3;
	s7 =	sadd.s32 $0x2800, s9  }
0xd: {  	s8 =	sadd.s32 $0xF800, s8;
	s9 =	smax.u32 s11, $0x1;
	s11 =	simm.s32 $0x1  }
.LBB2_1:
0xe: {  	[spmem:s10], [sflag:s6] =	dma.local [hbm:s5], $0x2800  }
0xf: {  	_ =	swait.ge [sflag:s11], $0x2800  }
0x10: {  	[sflag:s11] =	ssyncset.done $0x0  }
0x11: {  	[sflag:s11] =	ssyncadd.s32 $0xFFFFD800  }
0x12: {  	[tilespmem:s3], [sflag:$0x1] =	stream.linear.gather [hbm4b:s7+s3], $0x2780, $0x38;
	[tilespmem:$0x1A800] =	vst v63  }
0x13: {  	_ =	swait.ge [sflag:s11], $0x2780  }
0x14: {  	[sflag:s11] =	ssyncset.done $0x0  }
0x15: {  	[sflag:s11] =	ssyncadd.s32 $0xFFFFD880  }
0x16: {  	[tilespmem:s12], [sflag:$0x1] =	stream.linear.gather [hbm4b:s4+s3], $0x4000, $0x38;
	[tilespmem:$0x1A800] =	vst v63  }
0x17: {  	_ =	swait.ge [sflag:s11], $0x4000  }
0x18: {  	[sflag:s11] =	ssyncset.done $0x0  }
0x19: {  	[sflag:s11] =	ssyncadd.s32 $0xFFFFC000  }
0x1a: {  	s15 =	simm.s32 $0x0;
	[bflag:$0x0] =	sbarrier.arrive $0xFFFF  }
0x1b: {  	[spmem:s2] =	stream.indirect.scatter.add.f32 [tilespmem:s12], [sflag:$0x1], $0x80, s15, s13, $0xb8;
	[tilespmem:$0x1A800] =	vst v63  }
0x1c: {  	_ =	swait.ge [sflag:s11], $0x4000  }
0x1d: {  	s15 =	simm.s32 $0x200;
	[sflag:s11] =	ssyncset.done $0x0  }
.LBB2_2:
0x1e: {  	s16 =	sshra.s32 s15, $0x2;
	[sflag:s11] =	ssyncadd.s32 $0xFFFFC000;
	p0 =	sne.s32 s15, $0x9C00  }
0x1f: {  	[spmem:s2] =	stream.indirect.scatter.add.f32 [tilespmem:s12], [sflag:$0x1], $0x80, s16, s13, $0xb8;
	[tilespmem:$0x1A800] =	vst v63  }
.Ltmp0:
0x20: {  	_ = 	snop;
	(pc) =	sbr.rel @p0 .LBB2_2-.Ltmp0, $4  }
0x21: {  	_ = 	snop  }
0x22: {  	s15 =	sadd.s32 $0x200, s15  }
0x23: {  	_ =	swait.ge [sflag:s11], $0x4000  }
0x24: {  	[sflag:s11] =	ssyncset.done $0x0  }
0x25: {  	s14 =	sadd.s32 $0x1, s14  }
0x26: {  	[sflag:s11] =	ssyncadd.s32 $0xFFFFC000;
	p0 =	sne.s32 s14, s9  }
.Ltmp1:
0x27: {  	[bflag:$0x0] =	sbarrier.arrive $0xFFFF;
	(pc) =	sbr.rel @p0 .LBB2_1-.Ltmp1, $4  }
0x28: {  	[hbm:s8], [sflag:s6] =	dma.local [spmem:s10], $0x2800  }
0x29: {  	_ =	swait.ge [sflag:s11], $0x2800  }
0x2a: {  	[sflag:s11] =	ssyncset.done $0x0  }
0x2b: {  	[sflag:s11] =	ssyncadd.s32 $0xFFFFD800  }
0x2c: {  	_ =	sfence.sel $0x180000  }
0x2d: {  	[bflag:$0x0] =	sbarrier.arrive $0xFFFF  }
0x2e: {  	p0 =	sne.s32 s0, $0x0;
	_ =	strace $0x90000047  }
0x2f: {  	s0 =	sadd.s32 @!p0 $0x100000, s1;
	[bflag:$0x2] =	sbarrier.arrive $0xFFFF  }
0x30: {  	[sflag:s0] =	ssyncadd.tile.s32 @!p0 $0x1;
	_ =	shalt  }
.Lfunc_end2:
_tile_overlayer_lowered:
.L_overlay_start_2:
0x31: {  	(tag) =	ssettag $0x2  }
0x32: {  	s0 =	rddreg [dreg:$0x0];
	s2 =	stileid.u32  }
0x33: {  	s1 =	rddreg [dreg:$0x1];
	p0 =	sne.s32 s2, $0x0  }
0x34: {  	s3 =	rddreg [dreg:$0x2];
	[bflag:$0x3] =	sbarrier.arrive $0xFFFF;
	s2 =	simm.s32 @!p0 $0x1C01  }
0x35: {  	[timem:s3], [sflag:s2] =	dma.local @!p0 [hbm:s0], s1  }
0x36: {  	s0 =	simm.s32 @!p0 $0x1  }
0x37: {  	_ =	swait.ge @!p0 [sflag:s0], s1  }
0x38: {  	s1 =	ssub.s32 @!p0 $0x0, s1;
	[sflag:s0] =	ssyncset.done @!p0 $0x0  }
0x39: {  	[sflag:s0] =	ssyncadd.s32 @!p0 s1  }
0x3a: {  	[bflag:$0x3] =	sbarrier.arrive $0xFFFF  }
0x3b: {  	_ =	shalt  }

// kernel: kernel.9.cloned.1.call-start
scs
__scs_entry_jumppad:
0x0: {  	(pc) =	sbr.rel $0x88, $3  }
0x1: {  	(tag) =	ssettag $0x0;
	lr =	simm.s32 $0x1  }
0x2: {  	[smem:$0x3F97] =	sst lr;
	_ =	strace $0xD0000000  }
0x3: {  	_ = 	snop  }
0x4: {  	_ = 	snop  }
0x5: {  	_ = 	snop  }
0x6: {  	_ = 	snop  }
0x7: {  	_ = 	snop  }
__scs_overlays_trampoline_lowered:
0x8: {  	[smem:$0x3FA6] =	sst s0  }
0x9: {  	[smem:$0x3FA7] =	sst s1  }
0xa: {  	[smem:$0x3FA8] =	sst s2  }
0xb: {  	[smem:$0x3FA9] =	sst s3  }
0xc: {  	[smem:$0x3FAA] =	sst s4  }
0xd: {  	[smem:$0x3FAB] =	sst s5  }
0xe: {  	[smem:$0x3FAC] =	sst s6  }
0xf: {  	[smem:$0x3FAD] =	sst s7  }
0x10: {  	[smem:$0x3FAE] =	sst s8  }
0x11: {  	[smem:$0x3FAF] =	sst s9;
	s0 =	simm.s32 @!p0 $0x0  }
0x12: {  	s1 =	sld [smem:$0x3F95];
	s0 =	simm.s32 @p0 $0x1  }
0x13: {  	[smem:$0x3FB0] =	sst s0;
	s0 =	simm.s32 @!p1 $0x0  }
0x14: {  	s2 =	sld [smem:$0x3F94];
	s0 =	simm.s32 @p1 $0x1  }
0x15: {  	[smem:$0x3FB1] =	sst s0;
	s0 =	simm.s32 @!p2 $0x0  }
0x16: {  	s3 =	sld [smem:$0x3FDB];
	s0 =	simm.s32 @p2 $0x1  }
0x17: {  	s4 =	simm.s32 $0x1BF5;
	[smem:$0x3FB3] =	sst s0  }
0x18: {  	s0 =	sld [smem:$0x3F96];
	_ =	swait.ge [sflag:s4], $0x0  }
0x19: {  	s7 =	sld [smem:$0x3F97]  }
0x1a: {  	s8 =	sadd.s32 $0xFFFFE003, lr  }
0x1b: {  	s9 =	sadd.s32 $0xFFFFFEF7, lr;
	s5 =	simm.s32 $0xFFFFFFFF;
	p2 =	slt.u32 s8, $0xFFFFF086  }
0x1c: {  	p1 =	slt.u32 s9, $0xF7A;
	s5 =	simm.s32 @!p2 $0x0  }
0x1d: {  	s5 =	simm.s32 @p1 $0x1;
	p0 =	seq.s32 s7, s2  }
0x1e: {  	s7 =	smul.u32 @!p0 $0xF7A, s2;
	p2 =	seq.s32 @!p0 s5, $0x0  }
0x1f: {  	s9 =	smul.u32 $0xF7A, s1;
	s8 =	simm.s32 @!p0 $0x1BF5;
	p2 =	por !p2, p0  }
0x20: {  	[sflag:s8] =	ssyncset.s32 @!p0 $0xFFFFF086;
	s6 =	sadd.s32 @!p0 s3, s7;
	s7 =	simm.s32 @!p0 $0x108  }
0x21: {  	s3 =	sadd.s32 s3, s9;
	s6 =	sadd.s32 @!p0 $0x88, s6;
	s7 =	simm.s32 @p2 $0x1082  }
0x22: {  	[simem:s7], [sflag:s8] =	dma.local @!p0 [hbm:s6], $0xF7A  }
0x23: {  	s9 =	sor.u32 $0xD0000000, s2;
	s6 =	simm.s32 $0x108;
	_ =	swait.ge @!p0 [sflag:s8], $0x0  }
0x24: {  	s3 =	sadd.s32 $0x88, s3;
	s6 =	simm.s32 @!p1 $0x1082;
	[sflag:s4] =	ssyncset.s32 $0xFFFFF086  }
0x25: {  	[simem:s6], [sflag:s4] =	dma.local [hbm:s3], $0xF7A  }
0x26: {  	[smem:$0x3F97] =	sst s1;
	(tag) =	ssettag s2;
	_ =	strace s9  }
0x27: {  	s1 =	sld [smem:$0x3FA7]  }
0x28: {  	s2 =	sld [smem:$0x3FA8]  }
0x29: {  	s4 =	sld [smem:$0x3FAA]  }
0x2a: {  	p0 =	seq.s32 s5, $0x0;
	s5 =	sld [smem:$0x3FAB]  }
0x2b: {  	s6 =	sld [smem:$0x3FAC]  }
0x2c: {  	s7 =	sld [smem:$0x3FAD]  }
0x2d: {  	s3 =	simm.s32 $0x108;
	s8 =	sld [smem:$0x3FAE]  }
0x2e: {  	s3 =	simm.s32 @!p0 $0x1082;
	s9 =	sld [smem:$0x3FAF]  }
0x2f: {  	lr =	sadd.s32 s0, s3;
	s0 =	sld [smem:$0x3FA6]  }
0x30: {  	s3 =	sld [smem:$0x3FA9]  }
0x31: {  	[smem:$0x3FB2] =	sst s10  }
0x32: {  	s10 =	sld [smem:$0x3FB0];
	_ =	sdelay $0x3  }
0x33: {  	p0 =	seq.s32 s10, $0x1;
	s10 =	sld [smem:$0x3FB2];
	_ =	sdelay $0x3  }
0x34: {  	[smem:$0x3FB2] =	sst s10  }
0x35: {  	s10 =	sld [smem:$0x3FB1];
	_ =	sdelay $0x3  }
0x36: {  	p1 =	seq.s32 s10, $0x1;
	s10 =	sld [smem:$0x3FB2];
	_ =	sdelay $0x3  }
0x37: {  	[smem:$0x3FB2] =	sst s10  }
0x38: {  	s10 =	sld [smem:$0x3FB3]  }
0x39: {  	_ = 	snop;
	(pc) =	sbr.ind lr, $3  }
0x3a: {  	_ = 	snop  }
0x3b: {  	_ = 	snop  }
0x3c: {  	p2 =	seq.s32 s10, $0x1;
	s10 =	sld [smem:$0x3FB2]  }
0x3d: {  	_ =	shalt  }
0x3e: {  	_ =	shalt  }
0x3f: {  	_ =	shalt  }
0x40: {  	_ =	shalt  }
0x41: {  	_ =	shalt  }
0x42: {  	_ =	shalt  }
0x43: {  	_ =	shalt  }
0x44: {  	_ =	shalt  }
0x45: {  	_ =	shalt  }
0x46: {  	_ =	shalt  }
0x47: {  	_ =	shalt  }
0x48: {  	_ =	shalt  }
0x49: {  	_ =	shalt  }
0x4a: {  	_ =	shalt  }
0x4b: {  	_ =	shalt  }
0x4c: {  	_ =	shalt  }
0x4d: {  	_ =	shalt  }
0x4e: {  	_ =	shalt  }
0x4f: {  	_ =	shalt  }
0x50: {  	_ =	shalt  }
0x51: {  	_ =	shalt  }
0x52: {  	_ =	shalt  }
0x53: {  	_ =	shalt  }
0x54: {  	_ =	shalt  }
0x55: {  	_ =	shalt  }
0x56: {  	_ =	shalt  }
0x57: {  	_ =	shalt  }
0x58: {  	_ =	shalt  }
0x59: {  	_ =	shalt  }
0x5a: {  	_ =	shalt  }
0x5b: {  	_ =	shalt  }
0x5c: {  	_ =	shalt  }
0x5d: {  	_ =	shalt  }
0x5e: {  	_ =	shalt  }
0x5f: {  	_ =	shalt  }
0x60: {  	_ =	shalt  }
0x61: {  	_ =	shalt  }
0x62: {  	_ =	shalt  }
0x63: {  	_ =	shalt  }
0x64: {  	_ =	shalt  }
0x65: {  	_ =	shalt  }
0x66: {  	_ =	shalt  }
0x67: {  	_ =	shalt  }
0x68: {  	_ =	shalt  }
0x69: {  	_ =	shalt  }
0x6a: {  	_ =	shalt  }
0x6b: {  	_ =	shalt  }
0x6c: {  	_ =	shalt  }
0x6d: {  	_ =	shalt  }
0x6e: {  	_ =	shalt  }
0x6f: {  	_ =	shalt  }
0x70: {  	_ =	shalt  }
0x71: {  	_ =	shalt  }
0x72: {  	_ =	shalt  }
0x73: {  	_ =	shalt  }
0x74: {  	_ =	shalt  }
0x75: {  	_ =	shalt  }
0x76: {  	_ =	shalt  }
0x77: {  	_ =	shalt  }
0x78: {  	_ =	shalt  }
0x79: {  	_ =	shalt  }
0x7a: {  	_ =	shalt  }
0x7b: {  	_ =	shalt  }
0x7c: {  	_ =	shalt  }
0x7d: {  	_ =	shalt  }
0x7e: {  	_ =	shalt  }
0x7f: {  	_ =	shalt  }
0x80: {  	_ =	shalt  }
0x81: {  	_ =	shalt  }
0x82: {  	_ =	shalt  }
0x83: {  	_ =	shalt  }
0x84: {  	_ =	shalt  }
0x85: {  	_ =	shalt  }
0x86: {  	_ =	shalt  }
0x87: {  	_ =	shalt  }
.Lfunc_end0:
.L_simem_size_0:
called_computation.1_lowered:
.L_overlay_start_0:
0x88: {  	s2 =	sld [smem:$0x3FD9]  }
0x89: {  	s3 =	sld [smem:$0x3FFE];
	_ =	sdelay $0x1  }
0x8a: {  	s1 =	srdreg.scid  }
0x8b: {  	s0 =	sand.u32 $0x1, s1  }
0x8c: {  	s16 =	sshll.u32 s0, $0xA;
	s2 =	sadd.s32 s3, s2  }
0x8d: {  	s2 =	sadd.s32 s2, s16  }
0x8e: {  	[smem:$0x3FBE] =	sst s2  }
0x8f: {  	_ = 	snop  }
0x90: {  	(tm) =	ssettm $0x1  }
0x91: {  	s17 =	sld [smem:$0x3FFB];
	_ =	sdelay $0x3  }
0x92: {  	_ =	strace s17  }
0x93: {  	s2 =	sld [smem:$0x3FFC];
	_ =	sdelay $0x3  }
0x94: {  	_ =	strace s2  }
0x95: {  	s2 =	sld [smem:$0x3FFD];
	_ =	sdelay $0x3  }
0x96: {  	_ =	strace s2  }
0x97: {  	_ =	strace $0x8FFFFFFF  }
0x98: {  	s18 =	sld [smem:$0x3FDB];
	_ =	sdelay $0x1  }
0x99: {  	s19 =	simm.s32 $_scs_section_size  }
0x9a: {  	s4 =	simm.s32 $_size__tile_overlayer_lowered;
	s5 =	simm.s32 $_tile_overlayer_lowered  }
0x9b: {  	s22 =	simm.s32 $0x1BFF;
	s21 =	sshll.u32 s5, $0x1;
	s2 =	sadd.s32 s19, s18  }
0x9c: {  	s6 =	simm.s32 $0x0;
	s20 =	sshll.u32 s4, $0x1;
	s4 =	sadd.s32 s21, s2  }
0x9d: {  	[timem:s6], [sflag:s22] =	dma.local [hbm:s4], s20  }
0x9e: {  	_ =	swait.ge [sflag:s22], s20  }
0x9f: {  	s3 =	ssub.s32 $0x0, s20;
	[sflag:s22] =	ssyncset.done $0x0  }
0xa0: {  	[sflag:s22] =	ssyncadd.s32 s3;
	_ =	sdelay $0x1  }
0xa1: {  	s23 =	simm.s32 $0x1B8B  }
0xa2: {  	_ =	swait.ge [sflag:s23], $0x1  }
0xa3: {  	[sflag:s23] =	ssyncset.done $0x0  }
0xa4: {  	s25 =	simm.s32 $0x1B8E;
	s24 =	sld [smem:$0x3FFE];
	[sflag:s23] =	ssyncadd.s32 $0xFFFFFFFF  }
0xa5: {  	s26 =	simm.s32 $execute0_lowered;
	[smem:$0x3FD2] =	sst s25  }
0xa6: {  	s4 =	sshll.u32 s26, $0x1;
	_ =	strace $0x80000049;
	[dreg:$0x1] =	wrdreg $0xFFFFFFFF  }
0xa7: {  	s28 =	simm.s32 $_size_execute0_lowered;
	s2 =	sadd.s32 s2, s4;
	[dreg:$0x0] =	wrdreg $0x0  }
0xa8: {  	s4 =	sshll.u32 s28, $0x1;
	[dreg:$0x2] =	wrdreg s2  }
0xa9: {  	[dreg:$0x3] =	wrdreg s4  }
0xaa: {  	[dreg:$0x4] =	wrdreg $0xC0  }
0xab: {  	_ =	task [dreg:s6], $0x5FFFF  }
0xac: {  	[dreg:$0x1] =	wrdreg $0xFFFFFFFF  }
0xad: {  	[dreg:$0x0] =	wrdreg $0x60  }
0xae: {  	[dreg:$0x2] =	wrdreg s24  }
0xaf: {  	[dreg:$0x3] =	wrdreg $0xC0000  }
0xb0: {  	[dreg:$0x4] =	wrdreg $0x9  }
0xb1: {  	_ =	task.clear_ibuf [dreg:s6], $0x5FFFF;
	_ =	strace $0x90000049  }
0xb2: {  	s29 =	simm.s32 $0x9;
	_ =	strace $0x8000004B  }
0xb3: {  	_ =	swait.ge [sflag:s29], $0x1  }
0xb4: {  	[sflag:s29] =	ssyncadd.s32 $0xFFFFFFFF  }
0xb5: {  	_ =	strace $0x9000004B  }
0xb6: {  	_ =	sfence  }
0xb7: {  	s30 =	sld [smem:$0x0];
	_ =	sdelay $0x2  }
0xb8: {  	s31 =	sshll.u32 s1, $0xD;
	s1 =	sshrl.u32 s1, $0x2  }
0xb9: {  	s3 =	sand.u32 $0x4000, s31;
	s1 =	sadd.s32 s1, s30  }
0xba: {  	s0 =	sor.u32 s3, s0;
	s1 =	sshll.u32 s1, $0x11  }
0xbb: {  	s0 =	sor.u32 s1, s0  }
0xbc: {  	s0 =	sadd.s32 $0x8F2B, s0  }
0xbd: {  	[sflag:s0] =	ssyncadd.remote.s32 $0x1  }
0xbe: {  	_ =	sfence.sel $0xFFFF  }
0xbf: {  	[dreg:$0x0] =	wrdreg $0xFFFFFFFF;
	(pc) =	sbr.abs _section_cstart, $3  }
0xc0: {  	[dreg:$0x1] =	wrdreg $0xFFFFFFFF  }
0xc1: {  	_ =	task.clear_ibuf [dreg:s6], $0x2FFFF;
	_ =	strace $0x9FFFFFFF  }
0xc2: {  	(tm) =	ssettm $0x7FFFFFFF  }
0xc3: {  	_ =	shalt  }
tec
execute0_lowered:
.L_overlay_start_1:
0x0: {  	(tag) =	ssettag $0x1  }
0x1: {  	s7 =	rddreg [dreg:$0x0]  }
0x2: {  	s0 =	srdreg.scid;
	s2 =	rddreg [dreg:$0x1]  }
0x3: {  	s3 =	simm.s32 $0x0;
	s14 =	simm.s32 $0x40;
	s15 =	simm.s32 $0xA000  }
0x4: {  	s16 =	simm.s32 $0x1;
	s6 =	sand.u32 $0x1, s0;
	s0 =	stileid.u32  }
0x5: {  	s17 =	simm.s32 $0x0;
	[smem:$0x7FF] =	sst s3;
	s8 =	smul.u32 $0x140000, s6  }
0x6: {  	s4 =	sadd.s32 $0xF000, s7;
	s1 =	sshll.u32 s6, $0x4;
	s9 =	smul.u32 $0x14000, s0  }
0x7: {  	s28 =	smul.u32 $0x50000, s0;
	s6 =	ssub.s32 $0x2, s6;
	s1 =	sor.u32 s0, s1  }
0x8: {  	s31 =	sshll.u32 s0, $0x6;
	s29 =	sshrl.u32 s6, $0x1;
	s5 =	smul.u32 $0xA00, s1  }
0x9: {  	s1 =	rddreg [dreg:$0x2];
	_ =	strace $0x8000004A;
	s8 =	sadd.s32 s9, s8  }
0xa: {  	s30 =	sshrl.u32 s28, $0x2;
	s12 =	ssub.s32 s6, s29;
	s6 =	sor.u32 $0x1C02, s31  }
0xb: {  	s8 =	sshrl.u32 s8, $0x3;
	s13 =	sadd.s32 s30, s2;
	s10 =	sadd.s32 s5, s7  }
0xc: {  	s5 =	sadd.s32 $0xC800, s7;
	s11 =	sadd.s32 s8, s7;
	s7 =	sadd.s32 $0x73800, s10  }
0xd: {  	s8 =	sadd.s32 $0x5F800, s10;
	s9 =	sadd.s32 $0x87800, s11;
	s10 =	smax.u32 s12, $0x1  }
0xe: {  	s11 =	sshrl.u32 s13, $0x3;
	s12 =	simm.s32 $0x2;
	s13 =	simm.s32 $0x5000  }
.LBB2_1:
0xf: {  	[spmem:s11], [sflag:s6] =	dma.local [hbm:s5], $0x2800  }
0x10: {  	_ =	swait.ge [sflag:s12], $0x2800  }
0x11: {  	[sflag:s12] =	ssyncset.done $0x0  }
0x12: {  	[sflag:s12] =	ssyncadd.s32 $0xFFFFD800  }
0x13: {  	[tilespmem:s3], [sflag:$0x2] =	stream.linear.gather [hbm4b:s7+s3], $0x4F00, $0x38;
	v63 =	vld [tilespmem:$0x0]  }
0x14: {  	_ =	swait.ge [sflag:s12], $0x4F00  }
0x15: {  	[sflag:s12] =	ssyncset.done $0x0  }
0x16: {  	[sflag:s12] =	ssyncadd.s32 $0xFFFFB100  }
0x17: {  	[tilespmem:s13], [sflag:$0x2] =	stream.linear.gather [hbm4b:s8+s3], $0x4F00, $0x38;
	v63 =	vld [tilespmem:$0x0]  }
0x18: {  	_ =	swait.ge [sflag:s12], $0x4F00  }
0x19: {  	[sflag:s12] =	ssyncset.done $0x0  }
0x1a: {  	[sflag:s12] =	ssyncadd.s32 $0xFFFFB100  }
0x1b: {  	s18 =	simm.s32 $0x0;
	[bflag:$0x0] =	sbarrier.arrive $0xFFFF  }
0x1c: {  	[tilespmem:s15], [sflag:$0x1] =	stream.indirect.gather [hbm4b:s4+s14], $0x80, s18, s14, $0xb8;
	v63 =	vld [tilespmem:$0x0]  }
0x1d: {  	_ =	swait.ge [sflag:s16], $0x2000  }
0x1e: {  	[sflag:s16] =	ssyncset.done $0x0  }
0x1f: {  	s31 =	simm.s32 $0x5000;
	[sflag:s16] =	ssyncadd.s32 $0xFFFFE000  }
0x20: {  	[spmem:s2] =	stream.indirect.scatter.add.f32 [tilespmem:s15], [sflag:$0x2], $0x80, s31, s14, $0xb8;
	v63 =	vld [tilespmem:$0x0]  }
0x21: {  	_ =	swait.ge [sflag:s12], $0x2000  }
0x22: {  	s19 =	simm.s32 $0x400;
	s18 =	simm.s32 $0x200;
	[sflag:s12] =	ssyncset.done $0x0  }
.LBB2_2:
0x23: {  	s20 =	sshra.s32 s18, $0x2  }
0x24: {  	[sflag:s12] =	ssyncadd.s32 $0xFFFFE000;
	s18 =	smov.u32 s19;
	s21 =	sadd.s32 $0x200, s19  }
0x25: {  	[tilespmem:s15], [sflag:$0x1] =	stream.indirect.gather [hbm4b:s4+s14], $0x80, s20, s14, $0xb8;
	v63 =	vld [tilespmem:$0x0]  }
0x26: {  	p0 =	sne.s32 s19, $0x13A00;
	_ =	swait.ge [sflag:s16], $0x2000  }
.Ltmp0:
0x27: {  	[sflag:s16] =	ssyncset.done $0x0;
	(pc) =	sbr.rel @p0 .LBB2_2-.Ltmp0, $4  }
0x28: {  	s19 =	sadd.s32 $0x5000, s20;
	[sflag:s16] =	ssyncadd.s32 $0xFFFFE000  }
0x29: {  	[spmem:s2] =	stream.indirect.scatter.add.f32 [tilespmem:s15], [sflag:$0x2], $0x80, s19, s14, $0xb8;
	v63 =	vld [tilespmem:$0x0]  }
0x2a: {  	_ =	swait.ge [sflag:s12], $0x2000  }
0x2b: {  	s19 =	smov.u32 s21;
	[sflag:s12] =	ssyncset.done $0x0  }
0x2c: {  	s18 =	sshra.s32 s18, $0x2;
	[sflag:s12] =	ssyncadd.s32 $0xFFFFE000  }
0x2d: {  	[tilespmem:s15], [sflag:$0x1] =	stream.indirect.gather [hbm4b:s4+s14], $0x80, s18, s14, $0xb8;
	v63 =	vld [tilespmem:$0x0]  }
0x2e: {  	_ =	swait.ge [sflag:s16], $0x2000  }
0x2f: {  	[sflag:s16] =	ssyncset.done $0x0  }
0x30: {  	s18 =	sadd.s32 $0x5000, s18;
	[sflag:s16] =	ssyncadd.s32 $0xFFFFE000  }
0x31: {  	[spmem:s2] =	stream.indirect.scatter.add.f32 [tilespmem:s15], [sflag:$0x2], $0x80, s18, s14, $0xb8;
	v63 =	vld [tilespmem:$0x0]  }
0x32: {  	_ =	swait.ge [sflag:s12], $0x2000  }
0x33: {  	s17 =	sadd.s32 $0x1, s17;
	[sflag:s12] =	ssyncset.done $0x0  }
0x34: {  	p0 =	sne.s32 s17, s10;
	[sflag:s12] =	ssyncadd.s32 $0xFFFFE000  }
.Ltmp1:
0x35: {  	[bflag:$0x0] =	sbarrier.arrive $0xFFFF;
	(pc) =	sbr.rel @p0 .LBB2_1-.Ltmp1, $4  }
0x36: {  	[hbm:s9], [sflag:s6] =	dma.local [spmem:s11], $0x2800  }
0x37: {  	_ =	swait.ge [sflag:s12], $0x2800  }
0x38: {  	[sflag:s12] =	ssyncset.done $0x0  }
0x39: {  	[sflag:s12] =	ssyncadd.s32 $0xFFFFD800  }
0x3a: {  	_ =	sfence.sel $0x180000  }
0x3b: {  	[bflag:$0x0] =	sbarrier.arrive $0xFFFF  }
0x3c: {  	p0 =	sne.s32 s0, $0x0;
	_ =	strace $0x9000004A  }
0x3d: {  	s0 =	sadd.s32 @!p0 $0x100000, s1;
	[bflag:$0x2] =	sbarrier.arrive $0xFFFF  }
0x3e: {  	[sflag:s0] =	ssyncadd.tile.s32 @!p0 $0x1;
	_ =	shalt  }
.Lfunc_end2:
_tile_overlayer_lowered:
.L_overlay_start_2:
0x3f: {  	(tag) =	ssettag $0x2  }
0x40: {  	s0 =	rddreg [dreg:$0x0];
	s2 =	stileid.u32  }
0x41: {  	s1 =	rddreg [dreg:$0x1];
	p0 =	sne.s32 s2, $0x0  }
0x42: {  	s3 =	rddreg [dreg:$0x2];
	[bflag:$0x3] =	sbarrier.arrive $0xFFFF;
	s2 =	simm.s32 @!p0 $0x1C02  }
0x43: {  	[timem:s3], [sflag:s2] =	dma.local @!p0 [hbm:s0], s1  }
0x44: {  	s0 =	simm.s32 @!p0 $0x2  }
0x45: {  	_ =	swait.ge @!p0 [sflag:s0], s1  }
0x46: {  	s1 =	ssub.s32 @!p0 $0x0, s1;
	[sflag:s0] =	ssyncset.done @!p0 $0x0  }
0x47: {  	[sflag:s0] =	ssyncadd.s32 @!p0 s1  }
0x48: {  	[bflag:$0x3] =	sbarrier.arrive $0xFFFF  }
0x49: {  	_ =	shalt  }

</sc_bundles>
